<compile_context>
chip_gen: v7x
topology: tpu7x:2x2x1
jax: 0.10.2.dev20260603
libtpu: 0.0.44.dev20260713+nightly
codegen_flags: <defaults>
</compile_context>

<pallas_src>
import functools

import jax
import jax.numpy as jnp
from jax import lax
from jax.experimental import pallas as pl
from jax.experimental.pallas import tpu as pltpu
from jax.experimental.pallas import tpu_sc as plsc

N_NODES = 10000
N_EDGES = 320000
D = 128
N_CLASSES = 40

NC = 2
NS = 16
TILES = NC * NS
RPT = D // TILES
CK = 4096
NCH = 79
E_PAD = NCH * CK
N_PAD = 10240
IROWS = E_PAD // NS

_mesh = plsc.VectorSubcoreMesh(
    core_axis_name="c", subcore_axis_name="s", num_cores=NC, num_subcores=NS)


@functools.partial(
    pl.kernel,
    out_type=jax.ShapeDtypeStruct((TILES, RPT * N_PAD), jnp.float32),
    mesh=_mesh,
    compiler_params=pltpu.CompilerParams(needs_layout_passes=False),
    scratch_types=[
        pltpu.VMEM((RPT * N_PAD,), jnp.float32),
        pltpu.VMEM((RPT * N_PAD,), jnp.float32),
        pltpu.VMEM((CK,), jnp.int32),
        pltpu.VMEM((CK,), jnp.int32),
        pltpu.VMEM_SHARED((E_PAD,), jnp.int32),
        pltpu.SemaphoreType.DMA,
        pltpu.SemaphoreType.DMA,
    ],
)
def _agg_call(feat_hbm, idx_hbm, out_hbm, feat_v, acc_v, idx0_v, idx1_v, idx_sh, sem, sem1):
    c = lax.axis_index("c")
    s = lax.axis_index("s")
    w = c * NS + s

    cp_feat = pltpu.async_copy(feat_hbm.at[w], feat_v, sem)
    pltpu.sync_copy(idx_hbm.at[pl.ds(s * IROWS, IROWS)],
                    idx_sh.at[pl.ds(s * IROWS, IROWS)])

    zero = jnp.zeros((16,), jnp.float32)

    def _zcol(i, carry):
        acc_v[pl.ds(i * 16, 16)] = zero
        return carry

    lax.fori_loop(0, RPT * N_PAD // 16, _zcol, 0)
    cp_feat.wait()
    plsc.subcore_barrier()

    mask16 = jnp.full((16,), 0xFFFF, jnp.int32)
    sh16 = jnp.full((16,), 16, jnp.int32)
    rowoff = [jnp.full((16,), r * N_PAD, jnp.int32) for r in range(RPT)]

    def _run(idx_v):
        @plsc.parallel_loop(0, CK // 16, unroll=3)
        def _group(gi):
            v = idx_v[pl.ds(gi * 16, 16)]
            sv = lax.bitwise_and(v, mask16)
            dv = lax.shift_right_logical(v, sh16)
            for r in range(RPT):
                g = plsc.load_gather(feat_v, [sv + rowoff[r]])
                plsc.addupdate_scatter(acc_v, [dv + rowoff[r]], g)

    def _chunk(i, carry):
        ch = i * 2
        cp_a = pltpu.async_copy(idx_sh.at[pl.ds(ch * CK, CK)], idx0_v, sem)
        cp_b = pltpu.async_copy(idx_sh.at[pl.ds((ch + 1) * CK, CK)], idx1_v, sem1)
        cp_a.wait()
        _run(idx0_v)
        cp_b.wait()
        _run(idx1_v)
        return carry

    lax.fori_loop(0, NCH // 2, _chunk, 0)
    pltpu.sync_copy(idx_sh.at[pl.ds((NCH - 1) * CK, CK)], idx0_v)
    _run(idx0_v)

    pltpu.sync_copy(acc_v, out_hbm.at[w])


def _mlp_body(x_ref, p_ref, w1_ref, b1_ref, w2_ref, b2_ref, o_ref,
              *, final_relu):
    a = x_ref[...] + p_ref[...]
    t = jnp.dot(w1_ref[...], a, preferred_element_type=jnp.float32) + b1_ref[...]
    t = jnp.maximum(t, 0.0)
    o = jnp.dot(w2_ref[...], t, preferred_element_type=jnp.float32) + b2_ref[...]
    if final_relu:
        o = jnp.maximum(o, 0.0)
    o_ref[...] = o


def _mlp_call(xt, aggt, w1t, b1, w2t, b2, final_relu):
    bn = 1280
    grid = (N_PAD // bn,)
    col_spec = pl.BlockSpec((D, bn), lambda i: (0, i))
    full_spec = pl.BlockSpec((D, D), lambda i: (0, 0))
    bias_spec = pl.BlockSpec((D, 1), lambda i: (0, 0))
    return pl.pallas_call(
        functools.partial(_mlp_body, final_relu=final_relu),
        grid=grid,
        in_specs=[col_spec, col_spec, full_spec, bias_spec,
                  full_spec, bias_spec],
        out_specs=col_spec,
        out_shape=jax.ShapeDtypeStruct((D, N_PAD), jnp.float32),
    )(xt, aggt, w1t, b1.reshape(D, 1), w2t, b2.reshape(D, 1))


def kernel(x, edge_index, W1a, b1a, W2a, b2a, W1b, b1b, W2b, b2b):
    src = edge_index[0].astype(jnp.int32)
    dst = edge_index[1].astype(jnp.int32)
    pad = E_PAD - N_EDGES
    src_p = jnp.concatenate([src, jnp.zeros((pad,), jnp.int32)])
    dst_p = jnp.concatenate([dst, jnp.full((pad,), N_NODES, jnp.int32)])
    packed = jnp.bitwise_or(jnp.left_shift(dst_p, 16), src_p)

    xt = jnp.pad(x.T, ((0, 0), (0, N_PAD - N_NODES)))
    p = _agg_call(xt.reshape(TILES, RPT * N_PAD), packed)
    ht = _mlp_call(xt, p.reshape(D, N_PAD), W1a.T, b1a, W2a.T, b2a,
                   final_relu=True)

    p2 = _agg_call(ht.reshape(TILES, RPT * N_PAD), packed)
    w2bt = jnp.zeros((D, D), jnp.float32).at[:N_CLASSES, :].set(W2b.T)
    b2b_pad = jnp.zeros((D,), jnp.float32).at[:N_CLASSES].set(b2b)
    outt = _mlp_call(ht, p2.reshape(D, N_PAD), W1b.T, b1b, w2bt, b2b_pad,
                     final_relu=False)
    return outt[:N_CLASSES, :N_NODES].T

# --- scband reference (transcript-rebuilt; emitter-appended) ---
"""Pipeline reference for scband-ginmodel-33560874451042 (READ-ONLY COPY).

The authoritative reference and input builder live on the scoring server;
editing this copy changes nothing except your own understanding.
"""

import jax, jax.numpy as jnp
import numpy as np

N_NODES = 10000
N_EDGES = 320000
D_FEAT = 128
HIDDEN = 128
N_CLASSES = 40
EPS = 0.0


def setup_inputs(seed: int = 0) -> dict:
    key = jax.random.key(seed)
    ks = jax.random.split(key, 12)
    x = jax.random.normal(ks[0], (N_NODES, D_FEAT), dtype=jnp.float32)
    edge_index = jax.random.randint(ks[1], (2, N_EDGES), 0, N_NODES, dtype=jnp.int64)
    s1 = 1.0 / np.sqrt(D_FEAT)
    s2 = 1.0 / np.sqrt(HIDDEN)
    # conv1 MLP: in=128 -> hidden=128 -> out=128
    W1a = jax.random.uniform(ks[2], (D_FEAT, HIDDEN), jnp.float32, -s1, s1)
    b1a = jax.random.uniform(ks[3], (HIDDEN,), jnp.float32, -s1, s1)
    W2a = jax.random.uniform(ks[4], (HIDDEN, HIDDEN), jnp.float32, -s2, s2)
    b2a = jax.random.uniform(ks[5], (HIDDEN,), jnp.float32, -s2, s2)
    # conv2 MLP: in=128 -> hidden=128 -> out=40
    W1b = jax.random.uniform(ks[6], (HIDDEN, HIDDEN), jnp.float32, -s2, s2)
    b1b = jax.random.uniform(ks[7], (HIDDEN,), jnp.float32, -s2, s2)
    W2b = jax.random.uniform(ks[8], (HIDDEN, N_CLASSES), jnp.float32, -s2, s2)
    b2b = jax.random.uniform(ks[9], (N_CLASSES,), jnp.float32, -s2, s2)
    return {"x": x, "edge_index": edge_index,
            "W1a": W1a, "b1a": b1a, "W2a": W2a, "b2a": b2a,
            "W1b": W1b, "b1b": b1b, "W2b": W2b, "b2b": b2b}


def _mlp(h, W1, b1, W2, b2):
    h = jnp.dot(h, W1) + b1
    h = jnp.maximum(h, 0.0)
    h = jnp.dot(h, W2) + b2
    return h


def _gin_conv(x, edge_index, W1, b1, W2, b2):
    src = edge_index[0]
    dst = edge_index[1]
    # sum aggregation of neighbor messages (gather + scatter-add)
    msgs = jnp.take(x, src, axis=0)
    agg = jax.ops.segment_sum(msgs, dst, num_segments=x.shape[0])
    h = (1.0 + EPS) * x + agg
    return _mlp(h, W1, b1, W2, b2)


def reference(x, edge_index, W1a, b1a, W2a, b2a, W1b, b1b, W2b, b2b):
    h = _gin_conv(x, edge_index, W1a, b1a, W2a, b2a)
    h = jnp.maximum(h, 0.0)
    out = _gin_conv(h, edge_index, W1b, b1b, W2b, b2b)
    return out

if __name__ == "__main__":
    import jax
    _d = setup_inputs()
    print(jax.jit(kernel)(*tuple(_d.values())))

</pallas_src>

<mosaic_0001>
#map = affine_map<(d0, d1) -> (0, 0)>
#map1 = affine_map<(d0, d1) -> (0)>
module attributes {stable_mosaic.version = 14 : i64} {
  func.func @_agg_call(%arg0: i32, %arg1: i32, %arg2: memref<32x40960xf32, #tpu.memory_space<hbm>>, %arg3: memref<323584xi32, #tpu.memory_space<hbm>>, %arg4: memref<32x40960xf32, #tpu.memory_space<hbm>>, %arg5: memref<40960xf32, #tpu.memory_space<vmem>>, %arg6: memref<40960xf32, #tpu.memory_space<vmem>>, %arg7: memref<4096xi32, #tpu.memory_space<vmem>>, %arg8: memref<4096xi32, #tpu.memory_space<vmem>>, %arg9: memref<323584xi32, #tpu.memory_space<vmem_shared>>, %arg10: memref<!tpu.dma_semaphore, #tpu.memory_space<semaphore_mem>>, %arg11: memref<!tpu.dma_semaphore, #tpu.memory_space<semaphore_mem>>) attributes {dimension_semantics = [#tpu.dimension_semantics<core_parallel>, #tpu.dimension_semantics<subcore_parallel>], iteration_bounds = array<i64: 2, 16>, scalar_prefetch = 0 : i64, scratch_operands = 7 : i64, tpu.core_type = #tpu.core_type<sc_vector_subcore>, window_params = [{transform_indices = #map}, {transform_indices = #map1}, {transform_indices = #map}]} {
    %mul3A = arith.constant 16 : i32
    %mul3A_0 = arith.muli %arg0, %mul3A : i32
    %add3A = arith.addi %mul3A_0, %arg1 : i32
    %dma_start3A = arith.constant 0 : i32
    %dma_start3A_1 = tpu.memref_slice %arg2[%add3A, %dma_start3A] : memref<32x40960xf32, #tpu.memory_space<hbm>> -> memref<1x40960xf32, #tpu.memory_space<hbm>>
    %dma_start3A_2 = tpu.memref_squeeze %dma_start3A_1 : memref<1x40960xf32, #tpu.memory_space<hbm>> -> memref<40960xf32, #tpu.memory_space<hbm>>
    %dma_start3A_3 = arith.constant 0 : i32
    %dma_start3A_4 = tpu.memref_slice %arg2[%add3A, %dma_start3A_3] : memref<32x40960xf32, #tpu.memory_space<hbm>> -> memref<1x40960xf32, #tpu.memory_space<hbm>>
    %dma_start3A_5 = tpu.memref_squeeze %dma_start3A_4 : memref<1x40960xf32, #tpu.memory_space<hbm>> -> memref<40960xf32, #tpu.memory_space<hbm>>
    tpu.enqueue_dma source(%dma_start3A_5 : memref<40960xf32, #tpu.memory_space<hbm>>) target(%arg5 : memref<40960xf32, #tpu.memory_space<vmem>>) target_semaphore(%arg10 : memref<!tpu.dma_semaphore, #tpu.memory_space<semaphore_mem>>)
    %mul3A_6 = arith.constant 20224 : i32
    %mul3A_7 = arith.muli %arg1, %mul3A_6 : i32
    %mul3A_8 = arith.constant 20224 : i32
    %mul3A_9 = arith.muli %arg1, %mul3A_8 : i32
    "tpu.region"() ({
      %run_scoped3A = tpu.sem_alloc : memref<!tpu.dma_semaphore, #tpu.memory_space<semaphore_mem>>
      %dma_start3A_41 = tpu.memref_slice %arg9[%mul3A_9] : memref<323584xi32, #tpu.memory_space<vmem_shared>> -> memref<20224xi32, #tpu.memory_space<vmem_shared>>
      %dma_start3A_42 = tpu.memref_slice %arg3[%mul3A_7] : memref<323584xi32, #tpu.memory_space<hbm>> -> memref<20224xi32, #tpu.memory_space<hbm>>
      tpu.enqueue_dma source(%dma_start3A_42 : memref<20224xi32, #tpu.memory_space<hbm>>) target(%dma_start3A_41 : memref<20224xi32, #tpu.memory_space<vmem_shared>>) target_semaphore(%run_scoped3A : memref<!tpu.dma_semaphore, #tpu.memory_space<semaphore_mem>>)
      %dma_wait3A_43 = tpu.memref_slice %arg9[%mul3A_9] : memref<323584xi32, #tpu.memory_space<vmem_shared>> -> memref<20224xi32, #tpu.memory_space<vmem_shared>>
      %dma_wait3A_44 = tpu.memref_slice %arg3[%mul3A_7] : memref<323584xi32, #tpu.memory_space<hbm>> -> memref<20224xi32, #tpu.memory_space<hbm>>
      tpu.wait_dma2 semaphore(%run_scoped3A : memref<!tpu.dma_semaphore, #tpu.memory_space<semaphore_mem>>) src(%dma_wait3A_44 : memref<20224xi32, #tpu.memory_space<hbm>>) dst(%dma_wait3A_43 : memref<20224xi32, #tpu.memory_space<vmem_shared>>)
      tpu.yield
    }) : () -> ()
    %broadcast_in_dim3A = arith.constant 0.000000e+00 : f32
    %broadcast_in_dim3A_10 = vector.broadcast %broadcast_in_dim3A : f32 to vector<16xf32>
    %scan3A = arith.constant 0 : i32
    %scan3A_11 = arith.constant 0 : i32
    %scan3A_12 = arith.constant 2560 : i32
    %scan3A_13 = arith.addi %scan3A_11, %scan3A_12 : i32
    %scan3A_14 = arith.constant 1 : i32
    scf.for %scan3A_41 = %scan3A_11 to %scan3A_13 step %scan3A_14  : i32 {
      %mul3A_42 = arith.constant 16 : i32
      %mul3A_43 = arith.muli %scan3A_41, %mul3A_42 : i32
      %swap3A = arith.index_cast %mul3A_43 : i32 to index
      %swap3A_44 = tpu.vector_load %arg6[%swap3A] {strides = array<i32>} : memref<40960xf32, #tpu.memory_space<vmem>>, vector<16xf32>,
      tpu.vector_store %arg6[%swap3A], %broadcast_in_dim3A_10 {strides = array<i32>} : memref<40960xf32, #tpu.memory_space<vmem>>, vector<16xf32>,
    }
    %scan3A_15 = arith.constant 2560 : i32
    %dma_wait3A = arith.constant 0 : i32
    %dma_wait3A_16 = tpu.memref_slice %arg2[%add3A, %dma_wait3A] : memref<32x40960xf32, #tpu.memory_space<hbm>> -> memref<1x40960xf32, #tpu.memory_space<hbm>>
    %dma_wait3A_17 = tpu.memref_squeeze %dma_wait3A_16 : memref<1x40960xf32, #tpu.memory_space<hbm>> -> memref<40960xf32, #tpu.memory_space<hbm>>
    %dma_wait3A_18 = arith.constant 0 : i32
    %dma_wait3A_19 = tpu.memref_slice %arg2[%add3A, %dma_wait3A_18] : memref<32x40960xf32, #tpu.memory_space<hbm>> -> memref<1x40960xf32, #tpu.memory_space<hbm>>
    %dma_wait3A_20 = tpu.memref_squeeze %dma_wait3A_19 : memref<1x40960xf32, #tpu.memory_space<hbm>> -> memref<40960xf32, #tpu.memory_space<hbm>>
    tpu.wait_dma2 semaphore(%arg10 : memref<!tpu.dma_semaphore, #tpu.memory_space<semaphore_mem>>) src(%dma_wait3A_20 : memref<40960xf32, #tpu.memory_space<hbm>>) dst(%arg5 : memref<40960xf32, #tpu.memory_space<vmem>>)
    %barrier3A = arith.constant 0 : index
    tpu.barrier barrier_id(%barrier3A)
    %broadcast_in_dim3A_21 = arith.constant 65535 : i32
    %broadcast_in_dim3A_22 = vector.broadcast %broadcast_in_dim3A_21 : i32 to vector<16xi32>
    %broadcast_in_dim3A_23 = arith.constant 16 : i32
    %broadcast_in_dim3A_24 = vector.broadcast %broadcast_in_dim3A_23 : i32 to vector<16xi32>
    %broadcast_in_dim3A_25 = arith.constant 0 : i32
    %broadcast_in_dim3A_26 = vector.broadcast %broadcast_in_dim3A_25 : i32 to vector<16xi32>
    %broadcast_in_dim3A_27 = arith.constant 10240 : i32
    %broadcast_in_dim3A_28 = vector.broadcast %broadcast_in_dim3A_27 : i32 to vector<16xi32>
    %broadcast_in_dim3A_29 = arith.constant 20480 : i32
    %broadcast_in_dim3A_30 = vector.broadcast %broadcast_in_dim3A_29 : i32 to vector<16xi32>
    %broadcast_in_dim3A_31 = arith.constant 30720 : i32
    %broadcast_in_dim3A_32 = vector.broadcast %broadcast_in_dim3A_31 : i32 to vector<16xi32>
    %scan3A_33 = arith.constant 0 : i32
    %scan3A_34 = arith.constant 0 : i32
    %scan3A_35 = arith.constant 39 : i32
    %scan3A_36 = arith.addi %scan3A_34, %scan3A_35 : i32
    %scan3A_37 = arith.constant 1 : i32
    scf.for %scan3A_41 = %scan3A_34 to %scan3A_36 step %scan3A_37  : i32 {
      %mul3A_42 = arith.constant 2 : i32
      %mul3A_43 = arith.muli %scan3A_41, %mul3A_42 : i32
      %mul3A_44 = arith.constant 4096 : i32
      %mul3A_45 = arith.muli %mul3A_43, %mul3A_44 : i32
      %dma_start3A_46 = tpu.memref_slice %arg9[%mul3A_45] : memref<323584xi32, #tpu.memory_space<vmem_shared>> -> memref<4096xi32, #tpu.memory_space<vmem_shared>>
      %dma_start3A_47 = tpu.memref_slice %arg9[%mul3A_45] : memref<323584xi32, #tpu.memory_space<vmem_shared>> -> memref<4096xi32, #tpu.memory_space<vmem_shared>>
      tpu.enqueue_dma source(%dma_start3A_47 : memref<4096xi32, #tpu.memory_space<vmem_shared>>) target(%arg7 : memref<4096xi32, #tpu.memory_space<vmem>>) target_semaphore(%arg10 : memref<!tpu.dma_semaphore, #tpu.memory_space<semaphore_mem>>)
      %add3A_48 = arith.constant 1 : i32
      %add3A_49 = arith.addi %mul3A_43, %add3A_48 : i32
      %mul3A_50 = arith.constant 4096 : i32
      %mul3A_51 = arith.muli %add3A_49, %mul3A_50 : i32
      %dma_start3A_52 = tpu.memref_slice %arg9[%mul3A_51] : memref<323584xi32, #tpu.memory_space<vmem_shared>> -> memref<4096xi32, #tpu.memory_space<vmem_shared>>
      %dma_start3A_53 = tpu.memref_slice %arg9[%mul3A_51] : memref<323584xi32, #tpu.memory_space<vmem_shared>> -> memref<4096xi32, #tpu.memory_space<vmem_shared>>
      tpu.enqueue_dma source(%dma_start3A_53 : memref<4096xi32, #tpu.memory_space<vmem_shared>>) target(%arg8 : memref<4096xi32, #tpu.memory_space<vmem>>) target_semaphore(%arg11 : memref<!tpu.dma_semaphore, #tpu.memory_space<semaphore_mem>>)
      %dma_wait3A_54 = tpu.memref_slice %arg9[%mul3A_45] : memref<323584xi32, #tpu.memory_space<vmem_shared>> -> memref<4096xi32, #tpu.memory_space<vmem_shared>>
      %dma_wait3A_55 = tpu.memref_slice %arg9[%mul3A_45] : memref<323584xi32, #tpu.memory_space<vmem_shared>> -> memref<4096xi32, #tpu.memory_space<vmem_shared>>
      tpu.wait_dma2 semaphore(%arg10 : memref<!tpu.dma_semaphore, #tpu.memory_space<semaphore_mem>>) src(%dma_wait3A_55 : memref<4096xi32, #tpu.memory_space<vmem_shared>>) dst(%arg7 : memref<4096xi32, #tpu.memory_space<vmem>>)
      %parallel_loop3A_56 = arith.constant 0 : i32
      %parallel_loop3A_57 = arith.constant 256 : i32
      %parallel_loop3A_58 = arith.constant 1 : i32
      scf.for %parallel_loop3A_64 = %parallel_loop3A_56 to %parallel_loop3A_57 step %parallel_loop3A_58  : i32 {
        %parallel_loop3A_65 = arith.constant 16 : i32
        %parallel_loop3A_66 = arith.muli %parallel_loop3A_64, %parallel_loop3A_65 : i32
        %parallel_loop3A_67 = arith.index_cast %parallel_loop3A_66 : i32 to index
        %parallel_loop3A_68 = tpu.vector_load %arg7[%parallel_loop3A_67] {strides = array<i32>} : memref<4096xi32, #tpu.memory_space<vmem>>, vector<16xi32>,
        %parallel_loop3A_69 = arith.andi %parallel_loop3A_68, %broadcast_in_dim3A_22 : vector<16xi32>
        %parallel_loop3A_70 = arith.shrui %parallel_loop3A_68, %broadcast_in_dim3A_24 : vector<16xi32>
        %parallel_loop3A_71 = arith.addi %parallel_loop3A_69, %broadcast_in_dim3A_26 : vector<16xi32>
        %parallel_loop3A_72 = tpu.vector_load_idx %arg5[%parallel_loop3A_71] : memref<40960xf32, #tpu.memory_space<vmem>>[vector<16xi32>], vector<16xf32>,
        %parallel_loop3A_73 = arith.addi %parallel_loop3A_70, %broadcast_in_dim3A_26 : vector<16xi32>
        tpu.vector_store_idx %arg6[%parallel_loop3A_73], %parallel_loop3A_72 {add = true} : memref<40960xf32, #tpu.memory_space<vmem>>[vector<16xi32>], vector<16xf32>,
        %parallel_loop3A_74 = arith.addi %parallel_loop3A_69, %broadcast_in_dim3A_28 : vector<16xi32>
        %parallel_loop3A_75 = tpu.vector_load_idx %arg5[%parallel_loop3A_74] : memref<40960xf32, #tpu.memory_space<vmem>>[vector<16xi32>], vector<16xf32>,
        %parallel_loop3A_76 = arith.addi %parallel_loop3A_70, %broadcast_in_dim3A_28 : vector<16xi32>
        tpu.vector_store_idx %arg6[%parallel_loop3A_76], %parallel_loop3A_75 {add = true} : memref<40960xf32, #tpu.memory_space<vmem>>[vector<16xi32>], vector<16xf32>,
        %parallel_loop3A_77 = arith.addi %parallel_loop3A_69, %broadcast_in_dim3A_30 : vector<16xi32>
        %parallel_loop3A_78 = tpu.vector_load_idx %arg5[%parallel_loop3A_77] : memref<40960xf32, #tpu.memory_space<vmem>>[vector<16xi32>], vector<16xf32>,
        %parallel_loop3A_79 = arith.addi %parallel_loop3A_70, %broadcast_in_dim3A_30 : vector<16xi32>
        tpu.vector_store_idx %arg6[%parallel_loop3A_79], %parallel_loop3A_78 {add = true} : memref<40960xf32, #tpu.memory_space<vmem>>[vector<16xi32>], vector<16xf32>,
        %parallel_loop3A_80 = arith.addi %parallel_loop3A_69, %broadcast_in_dim3A_32 : vector<16xi32>
        %parallel_loop3A_81 = tpu.vector_load_idx %arg5[%parallel_loop3A_80] : memref<40960xf32, #tpu.memory_space<vmem>>[vector<16xi32>], vector<16xf32>,
        %parallel_loop3A_82 = arith.addi %parallel_loop3A_70, %broadcast_in_dim3A_32 : vector<16xi32>
        tpu.vector_store_idx %arg6[%parallel_loop3A_82], %parallel_loop3A_81 {add = true} : memref<40960xf32, #tpu.memory_space<vmem>>[vector<16xi32>], vector<16xf32>,
      } {sc.loop_unroll_factor = 3 : i64, sc.parallel_access}
      %dma_wait3A_59 = tpu.memref_slice %arg9[%mul3A_51] : memref<323584xi32, #tpu.memory_space<vmem_shared>> -> memref<4096xi32, #tpu.memory_space<vmem_shared>>
      %dma_wait3A_60 = tpu.memref_slice %arg9[%mul3A_51] : memref<323584xi32, #tpu.memory_space<vmem_shared>> -> memref<4096xi32, #tpu.memory_space<vmem_shared>>
      tpu.wait_dma2 semaphore(%arg11 : memref<!tpu.dma_semaphore, #tpu.memory_space<semaphore_mem>>) src(%dma_wait3A_60 : memref<4096xi32, #tpu.memory_space<vmem_shared>>) dst(%arg8 : memref<4096xi32, #tpu.memory_space<vmem>>)
      %parallel_loop3A_61 = arith.constant 0 : i32
      %parallel_loop3A_62 = arith.constant 256 : i32
      %parallel_loop3A_63 = arith.constant 1 : i32
      scf.for %parallel_loop3A_64 = %parallel_loop3A_61 to %parallel_loop3A_62 step %parallel_loop3A_63  : i32 {
        %parallel_loop3A_65 = arith.constant 16 : i32
        %parallel_loop3A_66 = arith.muli %parallel_loop3A_64, %parallel_loop3A_65 : i32
        %parallel_loop3A_67 = arith.index_cast %parallel_loop3A_66 : i32 to index
        %parallel_loop3A_68 = tpu.vector_load %arg8[%parallel_loop3A_67] {strides = array<i32>} : memref<4096xi32, #tpu.memory_space<vmem>>, vector<16xi32>,
        %parallel_loop3A_69 = arith.andi %parallel_loop3A_68, %broadcast_in_dim3A_22 : vector<16xi32>
        %parallel_loop3A_70 = arith.shrui %parallel_loop3A_68, %broadcast_in_dim3A_24 : vector<16xi32>
        %parallel_loop3A_71 = arith.addi %parallel_loop3A_69, %broadcast_in_dim3A_26 : vector<16xi32>
        %parallel_loop3A_72 = tpu.vector_load_idx %arg5[%parallel_loop3A_71] : memref<40960xf32, #tpu.memory_space<vmem>>[vector<16xi32>], vector<16xf32>,
        %parallel_loop3A_73 = arith.addi %parallel_loop3A_70, %broadcast_in_dim3A_26 : vector<16xi32>
        tpu.vector_store_idx %arg6[%parallel_loop3A_73], %parallel_loop3A_72 {add = true} : memref<40960xf32, #tpu.memory_space<vmem>>[vector<16xi32>], vector<16xf32>,
        %parallel_loop3A_74 = arith.addi %parallel_loop3A_69, %broadcast_in_dim3A_28 : vector<16xi32>
        %parallel_loop3A_75 = tpu.vector_load_idx %arg5[%parallel_loop3A_74] : memref<40960xf32, #tpu.memory_space<vmem>>[vector<16xi32>], vector<16xf32>,
        %parallel_loop3A_76 = arith.addi %parallel_loop3A_70, %broadcast_in_dim3A_28 : vector<16xi32>
        tpu.vector_store_idx %arg6[%parallel_loop3A_76], %parallel_loop3A_75 {add = true} : memref<40960xf32, #tpu.memory_space<vmem>>[vector<16xi32>], vector<16xf32>,
        %parallel_loop3A_77 = arith.addi %parallel_loop3A_69, %broadcast_in_dim3A_30 : vector<16xi32>
        %parallel_loop3A_78 = tpu.vector_load_idx %arg5[%parallel_loop3A_77] : memref<40960xf32, #tpu.memory_space<vmem>>[vector<16xi32>], vector<16xf32>,
        %parallel_loop3A_79 = arith.addi %parallel_loop3A_70, %broadcast_in_dim3A_30 : vector<16xi32>
        tpu.vector_store_idx %arg6[%parallel_loop3A_79], %parallel_loop3A_78 {add = true} : memref<40960xf32, #tpu.memory_space<vmem>>[vector<16xi32>], vector<16xf32>,
        %parallel_loop3A_80 = arith.addi %parallel_loop3A_69, %broadcast_in_dim3A_32 : vector<16xi32>
        %parallel_loop3A_81 = tpu.vector_load_idx %arg5[%parallel_loop3A_80] : memref<40960xf32, #tpu.memory_space<vmem>>[vector<16xi32>], vector<16xf32>,
        %parallel_loop3A_82 = arith.addi %parallel_loop3A_70, %broadcast_in_dim3A_32 : vector<16xi32>
        tpu.vector_store_idx %arg6[%parallel_loop3A_82], %parallel_loop3A_81 {add = true} : memref<40960xf32, #tpu.memory_space<vmem>>[vector<16xi32>], vector<16xf32>,
      } {sc.loop_unroll_factor = 3 : i64, sc.parallel_access}
    }
    %scan3A_38 = arith.constant 39 : i32
    "tpu.region"() ({
      %run_scoped3A = tpu.sem_alloc : memref<!tpu.dma_semaphore, #tpu.memory_space<semaphore_mem>>
      %dma_start3A_41 = arith.constant 319488 : i32
      %dma_start3A_42 = tpu.memref_slice %arg9[%dma_start3A_41] : memref<323584xi32, #tpu.memory_space<vmem_shared>> -> memref<4096xi32, #tpu.memory_space<vmem_shared>>
      %dma_start3A_43 = arith.constant 319488 : i32
      %dma_start3A_44 = tpu.memref_slice %arg9[%dma_start3A_43] : memref<323584xi32, #tpu.memory_space<vmem_shared>> -> memref<4096xi32, #tpu.memory_space<vmem_shared>>
      tpu.enqueue_dma source(%dma_start3A_44 : memref<4096xi32, #tpu.memory_space<vmem_shared>>) target(%arg7 : memref<4096xi32, #tpu.memory_space<vmem>>) target_semaphore(%run_scoped3A : memref<!tpu.dma_semaphore, #tpu.memory_space<semaphore_mem>>)
      %dma_wait3A_45 = arith.constant 319488 : i32
      %dma_wait3A_46 = tpu.memref_slice %arg9[%dma_wait3A_45] : memref<323584xi32, #tpu.memory_space<vmem_shared>> -> memref<4096xi32, #tpu.memory_space<vmem_shared>>
      %dma_wait3A_47 = arith.constant 319488 : i32
      %dma_wait3A_48 = tpu.memref_slice %arg9[%dma_wait3A_47] : memref<323584xi32, #tpu.memory_space<vmem_shared>> -> memref<4096xi32, #tpu.memory_space<vmem_shared>>
      tpu.wait_dma2 semaphore(%run_scoped3A : memref<!tpu.dma_semaphore, #tpu.memory_space<semaphore_mem>>) src(%dma_wait3A_48 : memref<4096xi32, #tpu.memory_space<vmem_shared>>) dst(%arg7 : memref<4096xi32, #tpu.memory_space<vmem>>)
      tpu.yield
    }) : () -> ()
    %parallel_loop3A = arith.constant 0 : i32
    %parallel_loop3A_39 = arith.constant 256 : i32
    %parallel_loop3A_40 = arith.constant 1 : i32
    scf.for %parallel_loop3A_41 = %parallel_loop3A to %parallel_loop3A_39 step %parallel_loop3A_40  : i32 {
      %parallel_loop3A_42 = arith.constant 16 : i32
      %parallel_loop3A_43 = arith.muli %parallel_loop3A_41, %parallel_loop3A_42 : i32
      %parallel_loop3A_44 = arith.index_cast %parallel_loop3A_43 : i32 to index
      %parallel_loop3A_45 = tpu.vector_load %arg7[%parallel_loop3A_44] {strides = array<i32>} : memref<4096xi32, #tpu.memory_space<vmem>>, vector<16xi32>,
      %parallel_loop3A_46 = arith.andi %parallel_loop3A_45, %broadcast_in_dim3A_22 : vector<16xi32>
      %parallel_loop3A_47 = arith.shrui %parallel_loop3A_45, %broadcast_in_dim3A_24 : vector<16xi32>
      %parallel_loop3A_48 = arith.addi %parallel_loop3A_46, %broadcast_in_dim3A_26 : vector<16xi32>
      %parallel_loop3A_49 = tpu.vector_load_idx %arg5[%parallel_loop3A_48] : memref<40960xf32, #tpu.memory_space<vmem>>[vector<16xi32>], vector<16xf32>,
      %parallel_loop3A_50 = arith.addi %parallel_loop3A_47, %broadcast_in_dim3A_26 : vector<16xi32>
      tpu.vector_store_idx %arg6[%parallel_loop3A_50], %parallel_loop3A_49 {add = true} : memref<40960xf32, #tpu.memory_space<vmem>>[vector<16xi32>], vector<16xf32>,
      %parallel_loop3A_51 = arith.addi %parallel_loop3A_46, %broadcast_in_dim3A_28 : vector<16xi32>
      %parallel_loop3A_52 = tpu.vector_load_idx %arg5[%parallel_loop3A_51] : memref<40960xf32, #tpu.memory_space<vmem>>[vector<16xi32>], vector<16xf32>,
      %parallel_loop3A_53 = arith.addi %parallel_loop3A_47, %broadcast_in_dim3A_28 : vector<16xi32>
      tpu.vector_store_idx %arg6[%parallel_loop3A_53], %parallel_loop3A_52 {add = true} : memref<40960xf32, #tpu.memory_space<vmem>>[vector<16xi32>], vector<16xf32>,
      %parallel_loop3A_54 = arith.addi %parallel_loop3A_46, %broadcast_in_dim3A_30 : vector<16xi32>
      %parallel_loop3A_55 = tpu.vector_load_idx %arg5[%parallel_loop3A_54] : memref<40960xf32, #tpu.memory_space<vmem>>[vector<16xi32>], vector<16xf32>,
      %parallel_loop3A_56 = arith.addi %parallel_loop3A_47, %broadcast_in_dim3A_30 : vector<16xi32>
      tpu.vector_store_idx %arg6[%parallel_loop3A_56], %parallel_loop3A_55 {add = true} : memref<40960xf32, #tpu.memory_space<vmem>>[vector<16xi32>], vector<16xf32>,
      %parallel_loop3A_57 = arith.addi %parallel_loop3A_46, %broadcast_in_dim3A_32 : vector<16xi32>
      %parallel_loop3A_58 = tpu.vector_load_idx %arg5[%parallel_loop3A_57] : memref<40960xf32, #tpu.memory_space<vmem>>[vector<16xi32>], vector<16xf32>,
      %parallel_loop3A_59 = arith.addi %parallel_loop3A_47, %broadcast_in_dim3A_32 : vector<16xi32>
      tpu.vector_store_idx %arg6[%parallel_loop3A_59], %parallel_loop3A_58 {add = true} : memref<40960xf32, #tpu.memory_space<vmem>>[vector<16xi32>], vector<16xf32>,
    } {sc.loop_unroll_factor = 3 : i64, sc.parallel_access}
    "tpu.region"() ({
      %run_scoped3A = tpu.sem_alloc : memref<!tpu.dma_semaphore, #tpu.memory_space<semaphore_mem>>
      %dma_start3A_41 = arith.constant 0 : i32
      %dma_start3A_42 = tpu.memref_slice %arg4[%add3A, %dma_start3A_41] : memref<32x40960xf32, #tpu.memory_space<hbm>> -> memref<1x40960xf32, #tpu.memory_space<hbm>>
      %dma_start3A_43 = tpu.memref_squeeze %dma_start3A_42 : memref<1x40960xf32, #tpu.memory_space<hbm>> -> memref<40960xf32, #tpu.memory_space<hbm>>
      %dma_start3A_44 = arith.constant 0 : i32
      %dma_start3A_45 = tpu.memref_slice %arg4[%add3A, %dma_start3A_44] : memref<32x40960xf32, #tpu.memory_space<hbm>> -> memref<1x40960xf32, #tpu.memory_space<hbm>>
      %dma_start3A_46 = tpu.memref_squeeze %dma_start3A_45 : memref<1x40960xf32, #tpu.memory_space<hbm>> -> memref<40960xf32, #tpu.memory_space<hbm>>
      tpu.enqueue_dma source(%arg6 : memref<40960xf32, #tpu.memory_space<vmem>>) target(%dma_start3A_46 : memref<40960xf32, #tpu.memory_space<hbm>>) target_semaphore(%run_scoped3A : memref<!tpu.dma_semaphore, #tpu.memory_space<semaphore_mem>>)
      %dma_wait3A_47 = arith.constant 0 : i32
      %dma_wait3A_48 = tpu.memref_slice %arg4[%add3A, %dma_wait3A_47] : memref<32x40960xf32, #tpu.memory_space<hbm>> -> memref<1x40960xf32, #tpu.memory_space<hbm>>
      %dma_wait3A_49 = tpu.memref_squeeze %dma_wait3A_48 : memref<1x40960xf32, #tpu.memory_space<hbm>> -> memref<40960xf32, #tpu.memory_space<hbm>>
      %dma_wait3A_50 = arith.constant 0 : i32
      %dma_wait3A_51 = tpu.memref_slice %arg4[%add3A, %dma_wait3A_50] : memref<32x40960xf32, #tpu.memory_space<hbm>> -> memref<1x40960xf32, #tpu.memory_space<hbm>>
      %dma_wait3A_52 = tpu.memref_squeeze %dma_wait3A_51 : memref<1x40960xf32, #tpu.memory_space<hbm>> -> memref<40960xf32, #tpu.memory_space<hbm>>
      tpu.wait_dma2 semaphore(%run_scoped3A : memref<!tpu.dma_semaphore, #tpu.memory_space<semaphore_mem>>) src(%arg6 : memref<40960xf32, #tpu.memory_space<vmem>>) dst(%dma_wait3A_52 : memref<40960xf32, #tpu.memory_space<hbm>>)
      tpu.yield
    }) : () -> ()
    return
  }
}

#map = affine_map<(d0, d1) -> (0, 0)>
#map1 = affine_map<(d0, d1) -> (0)>
module attributes {stable_mosaic.version = 14 : i64} {
  func.func @_agg_call(%arg0: i32, %arg1: i32, %arg2: memref<32x40960xf32, #tpu.memory_space<hbm>>, %arg3: memref<323584xi32, #tpu.memory_space<hbm>>, %arg4: memref<32x40960xf32, #tpu.memory_space<hbm>>, %arg5: memref<40960xf32, #tpu.memory_space<vmem>>, %arg6: memref<40960xf32, #tpu.memory_space<vmem>>, %arg7: memref<4096xi32, #tpu.memory_space<vmem>>, %arg8: memref<4096xi32, #tpu.memory_space<vmem>>, %arg9: memref<323584xi32, #tpu.memory_space<vmem_shared>>, %arg10: memref<!tpu.dma_semaphore, #tpu.memory_space<semaphore_mem>>, %arg11: memref<!tpu.dma_semaphore, #tpu.memory_space<semaphore_mem>>) attributes {dimension_semantics = [#tpu.dimension_semantics<core_parallel>, #tpu.dimension_semantics<subcore_parallel>], iteration_bounds = array<i64: 2, 16>, scalar_prefetch = 0 : i64, scratch_operands = 7 : i64, tpu.core_type = #tpu.core_type<sc_vector_subcore>, window_params = [{transform_indices = #map}, {transform_indices = #map1}, {transform_indices = #map}]} {
    %mul3A = arith.constant 16 : i32
    %mul3A_0 = arith.muli %arg0, %mul3A : i32
    %add3A = arith.addi %mul3A_0, %arg1 : i32
    %dma_start3A = arith.constant 0 : i32
    %dma_start3A_1 = tpu.memref_slice %arg2[%add3A, %dma_start3A] : memref<32x40960xf32, #tpu.memory_space<hbm>> -> memref<1x40960xf32, #tpu.memory_space<hbm>>
    %dma_start3A_2 = tpu.memref_squeeze %dma_start3A_1 : memref<1x40960xf32, #tpu.memory_space<hbm>> -> memref<40960xf32, #tpu.memory_space<hbm>>
    %dma_start3A_3 = arith.constant 0 : i32
    %dma_start3A_4 = tpu.memref_slice %arg2[%add3A, %dma_start3A_3] : memref<32x40960xf32, #tpu.memory_space<hbm>> -> memref<1x40960xf32, #tpu.memory_space<hbm>>
    %dma_start3A_5 = tpu.memref_squeeze %dma_start3A_4 : memref<1x40960xf32, #tpu.memory_space<hbm>> -> memref<40960xf32, #tpu.memory_space<hbm>>
    tpu.enqueue_dma source(%dma_start3A_5 : memref<40960xf32, #tpu.memory_space<hbm>>) target(%arg5 : memref<40960xf32, #tpu.memory_space<vmem>>) target_semaphore(%arg10 : memref<!tpu.dma_semaphore, #tpu.memory_space<semaphore_mem>>)
    %mul3A_6 = arith.constant 20224 : i32
    %mul3A_7 = arith.muli %arg1, %mul3A_6 : i32
    %mul3A_8 = arith.constant 20224 : i32
    %mul3A_9 = arith.muli %arg1, %mul3A_8 : i32
    "tpu.region"() ({
      %run_scoped3A = tpu.sem_alloc : memref<!tpu.dma_semaphore, #tpu.memory_space<semaphore_mem>>
      %dma_start3A_41 = tpu.memref_slice %arg9[%mul3A_9] : memref<323584xi32, #tpu.memory_space<vmem_shared>> -> memref<20224xi32, #tpu.memory_space<vmem_shared>>
      %dma_start3A_42 = tpu.memref_slice %arg3[%mul3A_7] : memref<323584xi32, #tpu.memory_space<hbm>> -> memref<20224xi32, #tpu.memory_space<hbm>>
      tpu.enqueue_dma source(%dma_start3A_42 : memref<20224xi32, #tpu.memory_space<hbm>>) target(%dma_start3A_41 : memref<20224xi32, #tpu.memory_space<vmem_shared>>) target_semaphore(%run_scoped3A : memref<!tpu.dma_semaphore, #tpu.memory_space<semaphore_mem>>)
      %dma_wait3A_43 = tpu.memref_slice %arg9[%mul3A_9] : memref<323584xi32, #tpu.memory_space<vmem_shared>> -> memref<20224xi32, #tpu.memory_space<vmem_shared>>
      %dma_wait3A_44 = tpu.memref_slice %arg3[%mul3A_7] : memref<323584xi32, #tpu.memory_space<hbm>> -> memref<20224xi32, #tpu.memory_space<hbm>>
      tpu.wait_dma2 semaphore(%run_scoped3A : memref<!tpu.dma_semaphore, #tpu.memory_space<semaphore_mem>>) src(%dma_wait3A_44 : memref<20224xi32, #tpu.memory_space<hbm>>) dst(%dma_wait3A_43 : memref<20224xi32, #tpu.memory_space<vmem_shared>>)
      tpu.yield
    }) : () -> ()
    %broadcast_in_dim3A = arith.constant 0.000000e+00 : f32
    %broadcast_in_dim3A_10 = vector.broadcast %broadcast_in_dim3A : f32 to vector<16xf32>
    %scan3A = arith.constant 0 : i32
    %scan3A_11 = arith.constant 0 : i32
    %scan3A_12 = arith.constant 2560 : i32
    %scan3A_13 = arith.addi %scan3A_11, %scan3A_12 : i32
    %scan3A_14 = arith.constant 1 : i32
    scf.for %scan3A_41 = %scan3A_11 to %scan3A_13 step %scan3A_14  : i32 {
      %mul3A_42 = arith.constant 16 : i32
      %mul3A_43 = arith.muli %scan3A_41, %mul3A_42 : i32
      %swap3A = arith.index_cast %mul3A_43 : i32 to index
      %swap3A_44 = tpu.vector_load %arg6[%swap3A] {strides = array<i32>} : memref<40960xf32, #tpu.memory_space<vmem>>, vector<16xf32>,
      tpu.vector_store %arg6[%swap3A], %broadcast_in_dim3A_10 {strides = array<i32>} : memref<40960xf32, #tpu.memory_space<vmem>>, vector<16xf32>,
    }
    %scan3A_15 = arith.constant 2560 : i32
    %dma_wait3A = arith.constant 0 : i32
    %dma_wait3A_16 = tpu.memref_slice %arg2[%add3A, %dma_wait3A] : memref<32x40960xf32, #tpu.memory_space<hbm>> -> memref<1x40960xf32, #tpu.memory_space<hbm>>
    %dma_wait3A_17 = tpu.memref_squeeze %dma_wait3A_16 : memref<1x40960xf32, #tpu.memory_space<hbm>> -> memref<40960xf32, #tpu.memory_space<hbm>>
    %dma_wait3A_18 = arith.constant 0 : i32
    %dma_wait3A_19 = tpu.memref_slice %arg2[%add3A, %dma_wait3A_18] : memref<32x40960xf32, #tpu.memory_space<hbm>> -> memref<1x40960xf32, #tpu.memory_space<hbm>>
    %dma_wait3A_20 = tpu.memref_squeeze %dma_wait3A_19 : memref<1x40960xf32, #tpu.memory_space<hbm>> -> memref<40960xf32, #tpu.memory_space<hbm>>
    tpu.wait_dma2 semaphore(%arg10 : memref<!tpu.dma_semaphore, #tpu.memory_space<semaphore_mem>>) src(%dma_wait3A_20 : memref<40960xf32, #tpu.memory_space<hbm>>) dst(%arg5 : memref<40960xf32, #tpu.memory_space<vmem>>)
    %barrier3A = arith.constant 0 : index
    tpu.barrier barrier_id(%barrier3A)
    %broadcast_in_dim3A_21 = arith.constant 65535 : i32
    %broadcast_in_dim3A_22 = vector.broadcast %broadcast_in_dim3A_21 : i32 to vector<16xi32>
    %broadcast_in_dim3A_23 = arith.constant 16 : i32
    %broadcast_in_dim3A_24 = vector.broadcast %broadcast_in_dim3A_23 : i32 to vector<16xi32>
    %broadcast_in_dim3A_25 = arith.constant 0 : i32
    %broadcast_in_dim3A_26 = vector.broadcast %broadcast_in_dim3A_25 : i32 to vector<16xi32>
    %broadcast_in_dim3A_27 = arith.constant 10240 : i32
    %broadcast_in_dim3A_28 = vector.broadcast %broadcast_in_dim3A_27 : i32 to vector<16xi32>
    %broadcast_in_dim3A_29 = arith.constant 20480 : i32
    %broadcast_in_dim3A_30 = vector.broadcast %broadcast_in_dim3A_29 : i32 to vector<16xi32>
    %broadcast_in_dim3A_31 = arith.constant 30720 : i32
    %broadcast_in_dim3A_32 = vector.broadcast %broadcast_in_dim3A_31 : i32 to vector<16xi32>
    %scan3A_33 = arith.constant 0 : i32
    %scan3A_34 = arith.constant 0 : i32
    %scan3A_35 = arith.constant 39 : i32
    %scan3A_36 = arith.addi %scan3A_34, %scan3A_35 : i32
    %scan3A_37 = arith.constant 1 : i32
    scf.for %scan3A_41 = %scan3A_34 to %scan3A_36 step %scan3A_37  : i32 {
      %mul3A_42 = arith.constant 2 : i32
      %mul3A_43 = arith.muli %scan3A_41, %mul3A_42 : i32
      %mul3A_44 = arith.constant 4096 : i32
      %mul3A_45 = arith.muli %mul3A_43, %mul3A_44 : i32
      %dma_start3A_46 = tpu.memref_slice %arg9[%mul3A_45] : memref<323584xi32, #tpu.memory_space<vmem_shared>> -> memref<4096xi32, #tpu.memory_space<vmem_shared>>
      %dma_start3A_47 = tpu.memref_slice %arg9[%mul3A_45] : memref<323584xi32, #tpu.memory_space<vmem_shared>> -> memref<4096xi32, #tpu.memory_space<vmem_shared>>
      tpu.enqueue_dma source(%dma_start3A_47 : memref<4096xi32, #tpu.memory_space<vmem_shared>>) target(%arg7 : memref<4096xi32, #tpu.memory_space<vmem>>) target_semaphore(%arg10 : memref<!tpu.dma_semaphore, #tpu.memory_space<semaphore_mem>>)
      %add3A_48 = arith.constant 1 : i32
      %add3A_49 = arith.addi %mul3A_43, %add3A_48 : i32
      %mul3A_50 = arith.constant 4096 : i32
      %mul3A_51 = arith.muli %add3A_49, %mul3A_50 : i32
      %dma_start3A_52 = tpu.memref_slice %arg9[%mul3A_51] : memref<323584xi32, #tpu.memory_space<vmem_shared>> -> memref<4096xi32, #tpu.memory_space<vmem_shared>>
      %dma_start3A_53 = tpu.memref_slice %arg9[%mul3A_51] : memref<323584xi32, #tpu.memory_space<vmem_shared>> -> memref<4096xi32, #tpu.memory_space<vmem_shared>>
      tpu.enqueue_dma source(%dma_start3A_53 : memref<4096xi32, #tpu.memory_space<vmem_shared>>) target(%arg8 : memref<4096xi32, #tpu.memory_space<vmem>>) target_semaphore(%arg11 : memref<!tpu.dma_semaphore, #tpu.memory_space<semaphore_mem>>)
      %dma_wait3A_54 = tpu.memref_slice %arg9[%mul3A_45] : memref<323584xi32, #tpu.memory_space<vmem_shared>> -> memref<4096xi32, #tpu.memory_space<vmem_shared>>
      %dma_wait3A_55 = tpu.memref_slice %arg9[%mul3A_45] : memref<323584xi32, #tpu.memory_space<vmem_shared>> -> memref<4096xi32, #tpu.memory_space<vmem_shared>>
      tpu.wait_dma2 semaphore(%arg10 : memref<!tpu.dma_semaphore, #tpu.memory_space<semaphore_mem>>) src(%dma_wait3A_55 : memref<4096xi32, #tpu.memory_space<vmem_shared>>) dst(%arg7 : memref<4096xi32, #tpu.memory_space<vmem>>)
      %parallel_loop3A_56 = arith.constant 0 : i32
      %parallel_loop3A_57 = arith.constant 256 : i32
      %parallel_loop3A_58 = arith.constant 1 : i32
      scf.for %parallel_loop3A_64 = %parallel_loop3A_56 to %parallel_loop3A_57 step %parallel_loop3A_58  : i32 {
        %parallel_loop3A_65 = arith.constant 16 : i32
        %parallel_loop3A_66 = arith.muli %parallel_loop3A_64, %parallel_loop3A_65 : i32
        %parallel_loop3A_67 = arith.index_cast %parallel_loop3A_66 : i32 to index
        %parallel_loop3A_68 = tpu.vector_load %arg7[%parallel_loop3A_67] {strides = array<i32>} : memref<4096xi32, #tpu.memory_space<vmem>>, vector<16xi32>,
        %parallel_loop3A_69 = arith.andi %parallel_loop3A_68, %broadcast_in_dim3A_22 : vector<16xi32>
        %parallel_loop3A_70 = arith.shrui %parallel_loop3A_68, %broadcast_in_dim3A_24 : vector<16xi32>
        %parallel_loop3A_71 = arith.addi %parallel_loop3A_69, %broadcast_in_dim3A_26 : vector<16xi32>
        %parallel_loop3A_72 = tpu.vector_load_idx %arg5[%parallel_loop3A_71] : memref<40960xf32, #tpu.memory_space<vmem>>[vector<16xi32>], vector<16xf32>,
        %parallel_loop3A_73 = arith.addi %parallel_loop3A_70, %broadcast_in_dim3A_26 : vector<16xi32>
        tpu.vector_store_idx %arg6[%parallel_loop3A_73], %parallel_loop3A_72 {add = true} : memref<40960xf32, #tpu.memory_space<vmem>>[vector<16xi32>], vector<16xf32>,
        %parallel_loop3A_74 = arith.addi %parallel_loop3A_69, %broadcast_in_dim3A_28 : vector<16xi32>
        %parallel_loop3A_75 = tpu.vector_load_idx %arg5[%parallel_loop3A_74] : memref<40960xf32, #tpu.memory_space<vmem>>[vector<16xi32>], vector<16xf32>,
        %parallel_loop3A_76 = arith.addi %parallel_loop3A_70, %broadcast_in_dim3A_28 : vector<16xi32>
        tpu.vector_store_idx %arg6[%parallel_loop3A_76], %parallel_loop3A_75 {add = true} : memref<40960xf32, #tpu.memory_space<vmem>>[vector<16xi32>], vector<16xf32>,
        %parallel_loop3A_77 = arith.addi %parallel_loop3A_69, %broadcast_in_dim3A_30 : vector<16xi32>
        %parallel_loop3A_78 = tpu.vector_load_idx %arg5[%parallel_loop3A_77] : memref<40960xf32, #tpu.memory_space<vmem>>[vector<16xi32>], vector<16xf32>,
        %parallel_loop3A_79 = arith.addi %parallel_loop3A_70, %broadcast_in_dim3A_30 : vector<16xi32>
        tpu.vector_store_idx %arg6[%parallel_loop3A_79], %parallel_loop3A_78 {add = true} : memref<40960xf32, #tpu.memory_space<vmem>>[vector<16xi32>], vector<16xf32>,
        %parallel_loop3A_80 = arith.addi %parallel_loop3A_69, %broadcast_in_dim3A_32 : vector<16xi32>
        %parallel_loop3A_81 = tpu.vector_load_idx %arg5[%parallel_loop3A_80] : memref<40960xf32, #tpu.memory_space<vmem>>[vector<16xi32>], vector<16xf32>,
        %parallel_loop3A_82 = arith.addi %parallel_loop3A_70, %broadcast_in_dim3A_32 : vector<16xi32>
        tpu.vector_store_idx %arg6[%parallel_loop3A_82], %parallel_loop3A_81 {add = true} : memref<40960xf32, #tpu.memory_space<vmem>>[vector<16xi32>], vector<16xf32>,
      } {sc.loop_unroll_factor = 3 : i64, sc.parallel_access}
      %dma_wait3A_59 = tpu.memref_slice %arg9[%mul3A_51] : memref<323584xi32, #tpu.memory_space<vmem_shared>> -> memref<4096xi32, #tpu.memory_space<vmem_shared>>
      %dma_wait3A_60 = tpu.memref_slice %arg9[%mul3A_51] : memref<323584xi32, #tpu.memory_space<vmem_shared>> -> memref<4096xi32, #tpu.memory_space<vmem_shared>>
      tpu.wait_dma2 semaphore(%arg11 : memref<!tpu.dma_semaphore, #tpu.memory_space<semaphore_mem>>) src(%dma_wait3A_60 : memref<4096xi32, #tpu.memory_space<vmem_shared>>) dst(%arg8 : memref<4096xi32, #tpu.memory_space<vmem>>)
      %parallel_loop3A_61 = arith.constant 0 : i32
      %parallel_loop3A_62 = arith.constant 256 : i32
      %parallel_loop3A_63 = arith.constant 1 : i32
      scf.for %parallel_loop3A_64 = %parallel_loop3A_61 to %parallel_loop3A_62 step %parallel_loop3A_63  : i32 {
        %parallel_loop3A_65 = arith.constant 16 : i32
        %parallel_loop3A_66 = arith.muli %parallel_loop3A_64, %parallel_loop3A_65 : i32
        %parallel_loop3A_67 = arith.index_cast %parallel_loop3A_66 : i32 to index
        %parallel_loop3A_68 = tpu.vector_load %arg8[%parallel_loop3A_67] {strides = array<i32>} : memref<4096xi32, #tpu.memory_space<vmem>>, vector<16xi32>,
        %parallel_loop3A_69 = arith.andi %parallel_loop3A_68, %broadcast_in_dim3A_22 : vector<16xi32>
        %parallel_loop3A_70 = arith.shrui %parallel_loop3A_68, %broadcast_in_dim3A_24 : vector<16xi32>
        %parallel_loop3A_71 = arith.addi %parallel_loop3A_69, %broadcast_in_dim3A_26 : vector<16xi32>
        %parallel_loop3A_72 = tpu.vector_load_idx %arg5[%parallel_loop3A_71] : memref<40960xf32, #tpu.memory_space<vmem>>[vector<16xi32>], vector<16xf32>,
        %parallel_loop3A_73 = arith.addi %parallel_loop3A_70, %broadcast_in_dim3A_26 : vector<16xi32>
        tpu.vector_store_idx %arg6[%parallel_loop3A_73], %parallel_loop3A_72 {add = true} : memref<40960xf32, #tpu.memory_space<vmem>>[vector<16xi32>], vector<16xf32>,
        %parallel_loop3A_74 = arith.addi %parallel_loop3A_69, %broadcast_in_dim3A_28 : vector<16xi32>
        %parallel_loop3A_75 = tpu.vector_load_idx %arg5[%parallel_loop3A_74] : memref<40960xf32, #tpu.memory_space<vmem>>[vector<16xi32>], vector<16xf32>,
        %parallel_loop3A_76 = arith.addi %parallel_loop3A_70, %broadcast_in_dim3A_28 : vector<16xi32>
        tpu.vector_store_idx %arg6[%parallel_loop3A_76], %parallel_loop3A_75 {add = true} : memref<40960xf32, #tpu.memory_space<vmem>>[vector<16xi32>], vector<16xf32>,
        %parallel_loop3A_77 = arith.addi %parallel_loop3A_69, %broadcast_in_dim3A_30 : vector<16xi32>
        %parallel_loop3A_78 = tpu.vector_load_idx %arg5[%parallel_loop3A_77] : memref<40960xf32, #tpu.memory_space<vmem>>[vector<16xi32>], vector<16xf32>,
        %parallel_loop3A_79 = arith.addi %parallel_loop3A_70, %broadcast_in_dim3A_30 : vector<16xi32>
        tpu.vector_store_idx %arg6[%parallel_loop3A_79], %parallel_loop3A_78 {add = true} : memref<40960xf32, #tpu.memory_space<vmem>>[vector<16xi32>], vector<16xf32>,
        %parallel_loop3A_80 = arith.addi %parallel_loop3A_69, %broadcast_in_dim3A_32 : vector<16xi32>
        %parallel_loop3A_81 = tpu.vector_load_idx %arg5[%parallel_loop3A_80] : memref<40960xf32, #tpu.memory_space<vmem>>[vector<16xi32>], vector<16xf32>,
        %parallel_loop3A_82 = arith.addi %parallel_loop3A_70, %broadcast_in_dim3A_32 : vector<16xi32>
        tpu.vector_store_idx %arg6[%parallel_loop3A_82], %parallel_loop3A_81 {add = true} : memref<40960xf32, #tpu.memory_space<vmem>>[vector<16xi32>], vector<16xf32>,
      } {sc.loop_unroll_factor = 3 : i64, sc.parallel_access}
    }
    %scan3A_38 = arith.constant 39 : i32
    "tpu.region"() ({
      %run_scoped3A = tpu.sem_alloc : memref<!tpu.dma_semaphore, #tpu.memory_space<semaphore_mem>>
      %dma_start3A_41 = arith.constant 319488 : i32
      %dma_start3A_42 = tpu.memref_slice %arg9[%dma_start3A_41] : memref<323584xi32, #tpu.memory_space<vmem_shared>> -> memref<4096xi32, #tpu.memory_space<vmem_shared>>
      %dma_start3A_43 = arith.constant 319488 : i32
      %dma_start3A_44 = tpu.memref_slice %arg9[%dma_start3A_43] : memref<323584xi32, #tpu.memory_space<vmem_shared>> -> memref<4096xi32, #tpu.memory_space<vmem_shared>>
      tpu.enqueue_dma source(%dma_start3A_44 : memref<4096xi32, #tpu.memory_space<vmem_shared>>) target(%arg7 : memref<4096xi32, #tpu.memory_space<vmem>>) target_semaphore(%run_scoped3A : memref<!tpu.dma_semaphore, #tpu.memory_space<semaphore_mem>>)
      %dma_wait3A_45 = arith.constant 319488 : i32
      %dma_wait3A_46 = tpu.memref_slice %arg9[%dma_wait3A_45] : memref<323584xi32, #tpu.memory_space<vmem_shared>> -> memref<4096xi32, #tpu.memory_space<vmem_shared>>
      %dma_wait3A_47 = arith.constant 319488 : i32
      %dma_wait3A_48 = tpu.memref_slice %arg9[%dma_wait3A_47] : memref<323584xi32, #tpu.memory_space<vmem_shared>> -> memref<4096xi32, #tpu.memory_space<vmem_shared>>
      tpu.wait_dma2 semaphore(%run_scoped3A : memref<!tpu.dma_semaphore, #tpu.memory_space<semaphore_mem>>) src(%dma_wait3A_48 : memref<4096xi32, #tpu.memory_space<vmem_shared>>) dst(%arg7 : memref<4096xi32, #tpu.memory_space<vmem>>)
      tpu.yield
    }) : () -> ()
    %parallel_loop3A = arith.constant 0 : i32
    %parallel_loop3A_39 = arith.constant 256 : i32
    %parallel_loop3A_40 = arith.constant 1 : i32
    scf.for %parallel_loop3A_41 = %parallel_loop3A to %parallel_loop3A_39 step %parallel_loop3A_40  : i32 {
      %parallel_loop3A_42 = arith.constant 16 : i32
      %parallel_loop3A_43 = arith.muli %parallel_loop3A_41, %parallel_loop3A_42 : i32
      %parallel_loop3A_44 = arith.index_cast %parallel_loop3A_43 : i32 to index
      %parallel_loop3A_45 = tpu.vector_load %arg7[%parallel_loop3A_44] {strides = array<i32>} : memref<4096xi32, #tpu.memory_space<vmem>>, vector<16xi32>,
      %parallel_loop3A_46 = arith.andi %parallel_loop3A_45, %broadcast_in_dim3A_22 : vector<16xi32>
      %parallel_loop3A_47 = arith.shrui %parallel_loop3A_45, %broadcast_in_dim3A_24 : vector<16xi32>
      %parallel_loop3A_48 = arith.addi %parallel_loop3A_46, %broadcast_in_dim3A_26 : vector<16xi32>
      %parallel_loop3A_49 = tpu.vector_load_idx %arg5[%parallel_loop3A_48] : memref<40960xf32, #tpu.memory_space<vmem>>[vector<16xi32>], vector<16xf32>,
      %parallel_loop3A_50 = arith.addi %parallel_loop3A_47, %broadcast_in_dim3A_26 : vector<16xi32>
      tpu.vector_store_idx %arg6[%parallel_loop3A_50], %parallel_loop3A_49 {add = true} : memref<40960xf32, #tpu.memory_space<vmem>>[vector<16xi32>], vector<16xf32>,
      %parallel_loop3A_51 = arith.addi %parallel_loop3A_46, %broadcast_in_dim3A_28 : vector<16xi32>
      %parallel_loop3A_52 = tpu.vector_load_idx %arg5[%parallel_loop3A_51] : memref<40960xf32, #tpu.memory_space<vmem>>[vector<16xi32>], vector<16xf32>,
      %parallel_loop3A_53 = arith.addi %parallel_loop3A_47, %broadcast_in_dim3A_28 : vector<16xi32>
      tpu.vector_store_idx %arg6[%parallel_loop3A_53], %parallel_loop3A_52 {add = true} : memref<40960xf32, #tpu.memory_space<vmem>>[vector<16xi32>], vector<16xf32>,
      %parallel_loop3A_54 = arith.addi %parallel_loop3A_46, %broadcast_in_dim3A_30 : vector<16xi32>
      %parallel_loop3A_55 = tpu.vector_load_idx %arg5[%parallel_loop3A_54] : memref<40960xf32, #tpu.memory_space<vmem>>[vector<16xi32>], vector<16xf32>,
      %parallel_loop3A_56 = arith.addi %parallel_loop3A_47, %broadcast_in_dim3A_30 : vector<16xi32>
      tpu.vector_store_idx %arg6[%parallel_loop3A_56], %parallel_loop3A_55 {add = true} : memref<40960xf32, #tpu.memory_space<vmem>>[vector<16xi32>], vector<16xf32>,
      %parallel_loop3A_57 = arith.addi %parallel_loop3A_46, %broadcast_in_dim3A_32 : vector<16xi32>
      %parallel_loop3A_58 = tpu.vector_load_idx %arg5[%parallel_loop3A_57] : memref<40960xf32, #tpu.memory_space<vmem>>[vector<16xi32>], vector<16xf32>,
      %parallel_loop3A_59 = arith.addi %parallel_loop3A_47, %broadcast_in_dim3A_32 : vector<16xi32>
      tpu.vector_store_idx %arg6[%parallel_loop3A_59], %parallel_loop3A_58 {add = true} : memref<40960xf32, #tpu.memory_space<vmem>>[vector<16xi32>], vector<16xf32>,
    } {sc.loop_unroll_factor = 3 : i64, sc.parallel_access}
    "tpu.region"() ({
      %run_scoped3A = tpu.sem_alloc : memref<!tpu.dma_semaphore, #tpu.memory_space<semaphore_mem>>
      %dma_start3A_41 = arith.constant 0 : i32
      %dma_start3A_42 = tpu.memref_slice %arg4[%add3A, %dma_start3A_41] : memref<32x40960xf32, #tpu.memory_space<hbm>> -> memref<1x40960xf32, #tpu.memory_space<hbm>>
      %dma_start3A_43 = tpu.memref_squeeze %dma_start3A_42 : memref<1x40960xf32, #tpu.memory_space<hbm>> -> memref<40960xf32, #tpu.memory_space<hbm>>
      %dma_start3A_44 = arith.constant 0 : i32
      %dma_start3A_45 = tpu.memref_slice %arg4[%add3A, %dma_start3A_44] : memref<32x40960xf32, #tpu.memory_space<hbm>> -> memref<1x40960xf32, #tpu.memory_space<hbm>>
      %dma_start3A_46 = tpu.memref_squeeze %dma_start3A_45 : memref<1x40960xf32, #tpu.memory_space<hbm>> -> memref<40960xf32, #tpu.memory_space<hbm>>
      tpu.enqueue_dma source(%arg6 : memref<40960xf32, #tpu.memory_space<vmem>>) target(%dma_start3A_46 : memref<40960xf32, #tpu.memory_space<hbm>>) target_semaphore(%run_scoped3A : memref<!tpu.dma_semaphore, #tpu.memory_space<semaphore_mem>>)
      %dma_wait3A_47 = arith.constant 0 : i32
      %dma_wait3A_48 = tpu.memref_slice %arg4[%add3A, %dma_wait3A_47] : memref<32x40960xf32, #tpu.memory_space<hbm>> -> memref<1x40960xf32, #tpu.memory_space<hbm>>
      %dma_wait3A_49 = tpu.memref_squeeze %dma_wait3A_48 : memref<1x40960xf32, #tpu.memory_space<hbm>> -> memref<40960xf32, #tpu.memory_space<hbm>>
      %dma_wait3A_50 = arith.constant 0 : i32
      %dma_wait3A_51 = tpu.memref_slice %arg4[%add3A, %dma_wait3A_50] : memref<32x40960xf32, #tpu.memory_space<hbm>> -> memref<1x40960xf32, #tpu.memory_space<hbm>>
      %dma_wait3A_52 = tpu.memref_squeeze %dma_wait3A_51 : memref<1x40960xf32, #tpu.memory_space<hbm>> -> memref<40960xf32, #tpu.memory_space<hbm>>
      tpu.wait_dma2 semaphore(%run_scoped3A : memref<!tpu.dma_semaphore, #tpu.memory_space<semaphore_mem>>) src(%arg6 : memref<40960xf32, #tpu.memory_space<vmem>>) dst(%dma_wait3A_52 : memref<40960xf32, #tpu.memory_space<hbm>>)
      tpu.yield
    }) : () -> ()
    return
  }
}

module attributes {stable_mosaic.version = 14 : i64} {
  func.func @_mlp_body(%arg0: i32, %arg1: memref<128x1280xf32, #tpu.memory_space<vmem>>, %arg2: memref<128x1280xf32, #tpu.memory_space<vmem>>, %arg3: memref<128x128xf32, #tpu.memory_space<vmem>>, %arg4: memref<128x1xf32, #tpu.memory_space<vmem>>, %arg5: memref<128x128xf32, #tpu.memory_space<vmem>>, %arg6: memref<128x1xf32, #tpu.memory_space<vmem>>, %arg7: memref<128x1280xf32, #tpu.memory_space<vmem>>) attributes {dimension_semantics = [#tpu.dimension_semantics<arbitrary>], iteration_bounds = array<i64: 8>, scalar_prefetch = 0 : i64, scratch_operands = 0 : i64, tpu.core_type = #tpu.core_type<tc>, window_params = [{transform_indices = @transform_0, window_bounds = array<i64: 128, 1280>}, {transform_indices = @transform_1, window_bounds = array<i64: 128, 1280>}, {pipeline_mode = #tpu.pipeline_mode<synchronous>, transform_indices = @transform_2, window_bounds = array<i64: 128, 128>}, {pipeline_mode = #tpu.pipeline_mode<synchronous>, transform_indices = @transform_3, window_bounds = array<i64: 128, 1>}, {pipeline_mode = #tpu.pipeline_mode<synchronous>, transform_indices = @transform_4, window_bounds = array<i64: 128, 128>}, {pipeline_mode = #tpu.pipeline_mode<synchronous>, transform_indices = @transform_5, window_bounds = array<i64: 128, 1>}, {transform_indices = @transform_6, window_bounds = array<i64: 128, 1280>}]} {
    %get3A = arith.constant 0 : index
    %get3A_0 = arith.constant 0 : index
    %get3A_1 = vector.load %arg1[%get3A, %get3A_0] : memref<128x1280xf32, #tpu.memory_space<vmem>>, vector<128x1280xf32>
    %get3A_2 = arith.constant 0 : index
    %get3A_3 = arith.constant 0 : index
    %get3A_4 = vector.load %arg2[%get3A_2, %get3A_3] : memref<128x1280xf32, #tpu.memory_space<vmem>>, vector<128x1280xf32>
    %add3A = arith.addf %get3A_1, %get3A_4 : vector<128x1280xf32>
    %get3A_5 = arith.constant 0 : index
    %get3A_6 = arith.constant 0 : index
    %get3A_7 = vector.load %arg3[%get3A_5, %get3A_6] : memref<128x128xf32, #tpu.memory_space<vmem>>, vector<128x128xf32>
    %dot_general3A = arith.constant dense<0.000000e+00> : vector<128x1280xf32>
    %dot_general3A_8 = tpu.matmul %get3A_7, %add3A, %dot_general3A {dimension_numbers = #tpu.dot_dimension_numbers<[1], [0], [0], [1], [0, 0, 1, 1], [], []>, transpose_lhs_hint = false} : vector<128x128xf32>, vector<128x1280xf32>, vector<128x1280xf32> -> vector<128x1280xf32>
    %get3A_9 = arith.constant 0 : index
    %get3A_10 = arith.constant 0 : index
    %get3A_11 = vector.load %arg4[%get3A_9, %get3A_10] : memref<128x1xf32, #tpu.memory_space<vmem>>, vector<128x1xf32>
    %add3A_12 = vector.broadcast %get3A_11 : vector<128x1xf32> to vector<128x1280xf32>
    %add3A_13 = arith.addf %dot_general3A_8, %add3A_12 : vector<128x1280xf32>
    %max3A = arith.constant 0.000000e+00 : f32
    %max3A_14 = vector.broadcast %max3A : f32 to vector<128x1280xf32>
    %max3A_15 = arith.maximumf %add3A_13, %max3A_14 : vector<128x1280xf32>
    %get3A_16 = arith.constant 0 : index
    %get3A_17 = arith.constant 0 : index
    %get3A_18 = vector.load %arg5[%get3A_16, %get3A_17] : memref<128x128xf32, #tpu.memory_space<vmem>>, vector<128x128xf32>
    %dot_general3A_19 = arith.constant dense<0.000000e+00> : vector<128x1280xf32>
    %dot_general3A_20 = tpu.matmul %get3A_18, %max3A_15, %dot_general3A_19 {dimension_numbers = #tpu.dot_dimension_numbers<[1], [0], [0], [1], [0, 0, 1, 1], [], []>, transpose_lhs_hint = false} : vector<128x128xf32>, vector<128x1280xf32>, vector<128x1280xf32> -> vector<128x1280xf32>
    %get3A_21 = arith.constant 0 : index
    %get3A_22 = arith.constant 0 : index
    %get3A_23 = vector.load %arg6[%get3A_21, %get3A_22] : memref<128x1xf32, #tpu.memory_space<vmem>>, vector<128x1xf32>
    %add3A_24 = vector.broadcast %get3A_23 : vector<128x1xf32> to vector<128x1280xf32>
    %add3A_25 = arith.addf %dot_general3A_20, %add3A_24 : vector<128x1280xf32>
    %max3A_26 = arith.constant 0.000000e+00 : f32
    %max3A_27 = vector.broadcast %max3A_26 : f32 to vector<128x1280xf32>
    %max3A_28 = arith.maximumf %add3A_25, %max3A_27 : vector<128x1280xf32>
    %swap3A = arith.constant 0 : index
    %swap3A_29 = arith.constant 0 : index
    %swap3A_30 = vector.load %arg7[%swap3A, %swap3A_29] : memref<128x1280xf32, #tpu.memory_space<vmem>>, vector<128x1280xf32>
    tpu.vector_store %arg7[%swap3A, %swap3A_29], %max3A_28 {strides = array<i32>} : memref<128x1280xf32, #tpu.memory_space<vmem>>, vector<128x1280xf32>,
    return
  }
  func.func @transform_0(%arg0: i32) -> (i32, i32) {
    %c0_i32 = arith.constant 0 : i32
    %c0_i32_0 = arith.constant 0 : i32
    return %c0_i32, %arg0 : i32, i32
  }
  func.func @transform_1(%arg0: i32) -> (i32, i32) {
    %c0_i32 = arith.constant 0 : i32
    %c0_i32_0 = arith.constant 0 : i32
    return %c0_i32, %arg0 : i32, i32
  }
  func.func @transform_2(%arg0: i32) -> (i32, i32) {
    %c0_i32 = arith.constant 0 : i32
    %c0_i32_0 = arith.constant 0 : i32
    %c0_i32_1 = arith.constant 0 : i32
    return %c0_i32, %c0_i32_0 : i32, i32
  }
  func.func @transform_3(%arg0: i32) -> (i32, i32) {
    %c0_i32 = arith.constant 0 : i32
    %c0_i32_0 = arith.constant 0 : i32
    %c0_i32_1 = arith.constant 0 : i32
    return %c0_i32, %c0_i32_0 : i32, i32
  }
  func.func @transform_4(%arg0: i32) -> (i32, i32) {
    %c0_i32 = arith.constant 0 : i32
    %c0_i32_0 = arith.constant 0 : i32
    %c0_i32_1 = arith.constant 0 : i32
    return %c0_i32, %c0_i32_0 : i32, i32
  }
  func.func @transform_5(%arg0: i32) -> (i32, i32) {
    %c0_i32 = arith.constant 0 : i32
    %c0_i32_0 = arith.constant 0 : i32
    %c0_i32_1 = arith.constant 0 : i32
    return %c0_i32, %c0_i32_0 : i32, i32
  }
  func.func @transform_6(%arg0: i32) -> (i32, i32) {
    %c0_i32 = arith.constant 0 : i32
    %c0_i32_0 = arith.constant 0 : i32
    return %c0_i32, %arg0 : i32, i32
  }
}

module attributes {stable_mosaic.version = 14 : i64} {
  func.func @_mlp_body(%arg0: i32, %arg1: memref<128x1280xf32, #tpu.memory_space<vmem>>, %arg2: memref<128x1280xf32, #tpu.memory_space<vmem>>, %arg3: memref<128x128xf32, #tpu.memory_space<vmem>>, %arg4: memref<128x1xf32, #tpu.memory_space<vmem>>, %arg5: memref<128x128xf32, #tpu.memory_space<vmem>>, %arg6: memref<128x1xf32, #tpu.memory_space<vmem>>, %arg7: memref<128x1280xf32, #tpu.memory_space<vmem>>) attributes {dimension_semantics = [#tpu.dimension_semantics<arbitrary>], iteration_bounds = array<i64: 8>, scalar_prefetch = 0 : i64, scratch_operands = 0 : i64, tpu.core_type = #tpu.core_type<tc>, window_params = [{transform_indices = @transform_0, window_bounds = array<i64: 128, 1280>}, {transform_indices = @transform_1, window_bounds = array<i64: 128, 1280>}, {pipeline_mode = #tpu.pipeline_mode<synchronous>, transform_indices = @transform_2, window_bounds = array<i64: 128, 128>}, {pipeline_mode = #tpu.pipeline_mode<synchronous>, transform_indices = @transform_3, window_bounds = array<i64: 128, 1>}, {pipeline_mode = #tpu.pipeline_mode<synchronous>, transform_indices = @transform_4, window_bounds = array<i64: 128, 128>}, {pipeline_mode = #tpu.pipeline_mode<synchronous>, transform_indices = @transform_5, window_bounds = array<i64: 128, 1>}, {transform_indices = @transform_6, window_bounds = array<i64: 128, 1280>}]} {
    %get3A = arith.constant 0 : index
    %get3A_0 = arith.constant 0 : index
    %get3A_1 = vector.load %arg1[%get3A, %get3A_0] : memref<128x1280xf32, #tpu.memory_space<vmem>>, vector<128x1280xf32>
    %get3A_2 = arith.constant 0 : index
    %get3A_3 = arith.constant 0 : index
    %get3A_4 = vector.load %arg2[%get3A_2, %get3A_3] : memref<128x1280xf32, #tpu.memory_space<vmem>>, vector<128x1280xf32>
    %add3A = arith.addf %get3A_1, %get3A_4 : vector<128x1280xf32>
    %get3A_5 = arith.constant 0 : index
    %get3A_6 = arith.constant 0 : index
    %get3A_7 = vector.load %arg3[%get3A_5, %get3A_6] : memref<128x128xf32, #tpu.memory_space<vmem>>, vector<128x128xf32>
    %dot_general3A = arith.constant dense<0.000000e+00> : vector<128x1280xf32>
    %dot_general3A_8 = tpu.matmul %get3A_7, %add3A, %dot_general3A {dimension_numbers = #tpu.dot_dimension_numbers<[1], [0], [0], [1], [0, 0, 1, 1], [], []>, transpose_lhs_hint = false} : vector<128x128xf32>, vector<128x1280xf32>, vector<128x1280xf32> -> vector<128x1280xf32>
    %get3A_9 = arith.constant 0 : index
    %get3A_10 = arith.constant 0 : index
    %get3A_11 = vector.load %arg4[%get3A_9, %get3A_10] : memref<128x1xf32, #tpu.memory_space<vmem>>, vector<128x1xf32>
    %add3A_12 = vector.broadcast %get3A_11 : vector<128x1xf32> to vector<128x1280xf32>
    %add3A_13 = arith.addf %dot_general3A_8, %add3A_12 : vector<128x1280xf32>
    %max3A = arith.constant 0.000000e+00 : f32
    %max3A_14 = vector.broadcast %max3A : f32 to vector<128x1280xf32>
    %max3A_15 = arith.maximumf %add3A_13, %max3A_14 : vector<128x1280xf32>
    %get3A_16 = arith.constant 0 : index
    %get3A_17 = arith.constant 0 : index
    %get3A_18 = vector.load %arg5[%get3A_16, %get3A_17] : memref<128x128xf32, #tpu.memory_space<vmem>>, vector<128x128xf32>
    %dot_general3A_19 = arith.constant dense<0.000000e+00> : vector<128x1280xf32>
    %dot_general3A_20 = tpu.matmul %get3A_18, %max3A_15, %dot_general3A_19 {dimension_numbers = #tpu.dot_dimension_numbers<[1], [0], [0], [1], [0, 0, 1, 1], [], []>, transpose_lhs_hint = false} : vector<128x128xf32>, vector<128x1280xf32>, vector<128x1280xf32> -> vector<128x1280xf32>
    %get3A_21 = arith.constant 0 : index
    %get3A_22 = arith.constant 0 : index
    %get3A_23 = vector.load %arg6[%get3A_21, %get3A_22] : memref<128x1xf32, #tpu.memory_space<vmem>>, vector<128x1xf32>
    %add3A_24 = vector.broadcast %get3A_23 : vector<128x1xf32> to vector<128x1280xf32>
    %add3A_25 = arith.addf %dot_general3A_20, %add3A_24 : vector<128x1280xf32>
    %swap3A = arith.constant 0 : index
    %swap3A_26 = arith.constant 0 : index
    %swap3A_27 = vector.load %arg7[%swap3A, %swap3A_26] : memref<128x1280xf32, #tpu.memory_space<vmem>>, vector<128x1280xf32>
    tpu.vector_store %arg7[%swap3A, %swap3A_26], %add3A_25 {strides = array<i32>} : memref<128x1280xf32, #tpu.memory_space<vmem>>, vector<128x1280xf32>,
    return
  }
  func.func @transform_0(%arg0: i32) -> (i32, i32) {
    %c0_i32 = arith.constant 0 : i32
    %c0_i32_0 = arith.constant 0 : i32
    return %c0_i32, %arg0 : i32, i32
  }
  func.func @transform_1(%arg0: i32) -> (i32, i32) {
    %c0_i32 = arith.constant 0 : i32
    %c0_i32_0 = arith.constant 0 : i32
    return %c0_i32, %arg0 : i32, i32
  }
  func.func @transform_2(%arg0: i32) -> (i32, i32) {
    %c0_i32 = arith.constant 0 : i32
    %c0_i32_0 = arith.constant 0 : i32
    %c0_i32_1 = arith.constant 0 : i32
    return %c0_i32, %c0_i32_0 : i32, i32
  }
  func.func @transform_3(%arg0: i32) -> (i32, i32) {
    %c0_i32 = arith.constant 0 : i32
    %c0_i32_0 = arith.constant 0 : i32
    %c0_i32_1 = arith.constant 0 : i32
    return %c0_i32, %c0_i32_0 : i32, i32
  }
  func.func @transform_4(%arg0: i32) -> (i32, i32) {
    %c0_i32 = arith.constant 0 : i32
    %c0_i32_0 = arith.constant 0 : i32
    %c0_i32_1 = arith.constant 0 : i32
    return %c0_i32, %c0_i32_0 : i32, i32
  }
  func.func @transform_5(%arg0: i32) -> (i32, i32) {
    %c0_i32 = arith.constant 0 : i32
    %c0_i32_0 = arith.constant 0 : i32
    %c0_i32_1 = arith.constant 0 : i32
    return %c0_i32, %c0_i32_0 : i32, i32
  }
  func.func @transform_6(%arg0: i32) -> (i32, i32) {
    %c0_i32 = arith.constant 0 : i32
    %c0_i32_0 = arith.constant 0 : i32
    return %c0_i32, %arg0 : i32, i32
  }
}

</mosaic_0001>

<sc_bundles>
// kernel: kernel.6.cloned.1.call-start
scs
__scs_entry_jumppad:
0x0: {  	(pc) =	sbr.rel $0x88, $3  }
0x1: {  	(tag) =	ssettag $0x0;
	lr =	simm.s32 $0x1  }
0x2: {  	[smem:$0x3F97] =	sst lr;
	_ =	strace $0xD0000000  }
0x3: {  	_ = 	snop  }
0x4: {  	_ = 	snop  }
0x5: {  	_ = 	snop  }
0x6: {  	_ = 	snop  }
0x7: {  	_ = 	snop  }
__scs_overlays_trampoline_lowered:
0x8: {  	[smem:$0x3FA6] =	sst s0  }
0x9: {  	[smem:$0x3FA7] =	sst s1  }
0xa: {  	[smem:$0x3FA8] =	sst s2  }
0xb: {  	[smem:$0x3FA9] =	sst s3  }
0xc: {  	[smem:$0x3FAA] =	sst s4  }
0xd: {  	[smem:$0x3FAB] =	sst s5  }
0xe: {  	[smem:$0x3FAC] =	sst s6  }
0xf: {  	[smem:$0x3FAD] =	sst s7  }
0x10: {  	[smem:$0x3FAE] =	sst s8  }
0x11: {  	[smem:$0x3FAF] =	sst s9;
	s0 =	simm.s32 @!p0 $0x0  }
0x12: {  	s1 =	sld [smem:$0x3F95];
	s0 =	simm.s32 @p0 $0x1  }
0x13: {  	[smem:$0x3FB0] =	sst s0;
	s0 =	simm.s32 @!p1 $0x0  }
0x14: {  	s2 =	sld [smem:$0x3F94];
	s0 =	simm.s32 @p1 $0x1  }
0x15: {  	[smem:$0x3FB1] =	sst s0;
	s0 =	simm.s32 @!p2 $0x0  }
0x16: {  	s3 =	sld [smem:$0x3FDB];
	s0 =	simm.s32 @p2 $0x1  }
0x17: {  	s4 =	simm.s32 $0x1BF5;
	[smem:$0x3FB3] =	sst s0  }
0x18: {  	s0 =	sld [smem:$0x3F96];
	_ =	swait.ge [sflag:s4], $0x0  }
0x19: {  	s7 =	sld [smem:$0x3F97]  }
0x1a: {  	s8 =	sadd.s32 $0xFFFFE003, lr  }
0x1b: {  	s9 =	sadd.s32 $0xFFFFFEF7, lr;
	s5 =	simm.s32 $0xFFFFFFFF;
	p2 =	slt.u32 s8, $0xFFFFF086  }
0x1c: {  	p1 =	slt.u32 s9, $0xF7A;
	s5 =	simm.s32 @!p2 $0x0  }
0x1d: {  	s5 =	simm.s32 @p1 $0x1;
	p0 =	seq.s32 s7, s2  }
0x1e: {  	s7 =	smul.u32 @!p0 $0xF7A, s2;
	p2 =	seq.s32 @!p0 s5, $0x0  }
0x1f: {  	s9 =	smul.u32 $0xF7A, s1;
	s8 =	simm.s32 @!p0 $0x1BF5;
	p2 =	por !p2, p0  }
0x20: {  	[sflag:s8] =	ssyncset.s32 @!p0 $0xFFFFF086;
	s6 =	sadd.s32 @!p0 s3, s7;
	s7 =	simm.s32 @!p0 $0x108  }
0x21: {  	s3 =	sadd.s32 s3, s9;
	s6 =	sadd.s32 @!p0 $0x88, s6;
	s7 =	simm.s32 @p2 $0x1082  }
0x22: {  	[simem:s7], [sflag:s8] =	dma.local @!p0 [hbm:s6], $0xF7A  }
0x23: {  	s9 =	sor.u32 $0xD0000000, s2;
	s6 =	simm.s32 $0x108;
	_ =	swait.ge @!p0 [sflag:s8], $0x0  }
0x24: {  	s3 =	sadd.s32 $0x88, s3;
	s6 =	simm.s32 @!p1 $0x1082;
	[sflag:s4] =	ssyncset.s32 $0xFFFFF086  }
0x25: {  	[simem:s6], [sflag:s4] =	dma.local [hbm:s3], $0xF7A  }
0x26: {  	[smem:$0x3F97] =	sst s1;
	(tag) =	ssettag s2;
	_ =	strace s9  }
0x27: {  	s1 =	sld [smem:$0x3FA7]  }
0x28: {  	s2 =	sld [smem:$0x3FA8]  }
0x29: {  	s4 =	sld [smem:$0x3FAA]  }
0x2a: {  	p0 =	seq.s32 s5, $0x0;
	s5 =	sld [smem:$0x3FAB]  }
0x2b: {  	s6 =	sld [smem:$0x3FAC]  }
0x2c: {  	s7 =	sld [smem:$0x3FAD]  }
0x2d: {  	s3 =	simm.s32 $0x108;
	s8 =	sld [smem:$0x3FAE]  }
0x2e: {  	s3 =	simm.s32 @!p0 $0x1082;
	s9 =	sld [smem:$0x3FAF]  }
0x2f: {  	lr =	sadd.s32 s0, s3;
	s0 =	sld [smem:$0x3FA6]  }
0x30: {  	s3 =	sld [smem:$0x3FA9]  }
0x31: {  	[smem:$0x3FB2] =	sst s10  }
0x32: {  	s10 =	sld [smem:$0x3FB0];
	_ =	sdelay $0x3  }
0x33: {  	p0 =	seq.s32 s10, $0x1;
	s10 =	sld [smem:$0x3FB2];
	_ =	sdelay $0x3  }
0x34: {  	[smem:$0x3FB2] =	sst s10  }
0x35: {  	s10 =	sld [smem:$0x3FB1];
	_ =	sdelay $0x3  }
0x36: {  	p1 =	seq.s32 s10, $0x1;
	s10 =	sld [smem:$0x3FB2];
	_ =	sdelay $0x3  }
0x37: {  	[smem:$0x3FB2] =	sst s10  }
0x38: {  	s10 =	sld [smem:$0x3FB3]  }
0x39: {  	_ = 	snop;
	(pc) =	sbr.ind lr, $3  }
0x3a: {  	_ = 	snop  }
0x3b: {  	_ = 	snop  }
0x3c: {  	p2 =	seq.s32 s10, $0x1;
	s10 =	sld [smem:$0x3FB2]  }
0x3d: {  	_ =	shalt  }
0x3e: {  	_ =	shalt  }
0x3f: {  	_ =	shalt  }
0x40: {  	_ =	shalt  }
0x41: {  	_ =	shalt  }
0x42: {  	_ =	shalt  }
0x43: {  	_ =	shalt  }
0x44: {  	_ =	shalt  }
0x45: {  	_ =	shalt  }
0x46: {  	_ =	shalt  }
0x47: {  	_ =	shalt  }
0x48: {  	_ =	shalt  }
0x49: {  	_ =	shalt  }
0x4a: {  	_ =	shalt  }
0x4b: {  	_ =	shalt  }
0x4c: {  	_ =	shalt  }
0x4d: {  	_ =	shalt  }
0x4e: {  	_ =	shalt  }
0x4f: {  	_ =	shalt  }
0x50: {  	_ =	shalt  }
0x51: {  	_ =	shalt  }
0x52: {  	_ =	shalt  }
0x53: {  	_ =	shalt  }
0x54: {  	_ =	shalt  }
0x55: {  	_ =	shalt  }
0x56: {  	_ =	shalt  }
0x57: {  	_ =	shalt  }
0x58: {  	_ =	shalt  }
0x59: {  	_ =	shalt  }
0x5a: {  	_ =	shalt  }
0x5b: {  	_ =	shalt  }
0x5c: {  	_ =	shalt  }
0x5d: {  	_ =	shalt  }
0x5e: {  	_ =	shalt  }
0x5f: {  	_ =	shalt  }
0x60: {  	_ =	shalt  }
0x61: {  	_ =	shalt  }
0x62: {  	_ =	shalt  }
0x63: {  	_ =	shalt  }
0x64: {  	_ =	shalt  }
0x65: {  	_ =	shalt  }
0x66: {  	_ =	shalt  }
0x67: {  	_ =	shalt  }
0x68: {  	_ =	shalt  }
0x69: {  	_ =	shalt  }
0x6a: {  	_ =	shalt  }
0x6b: {  	_ =	shalt  }
0x6c: {  	_ =	shalt  }
0x6d: {  	_ =	shalt  }
0x6e: {  	_ =	shalt  }
0x6f: {  	_ =	shalt  }
0x70: {  	_ =	shalt  }
0x71: {  	_ =	shalt  }
0x72: {  	_ =	shalt  }
0x73: {  	_ =	shalt  }
0x74: {  	_ =	shalt  }
0x75: {  	_ =	shalt  }
0x76: {  	_ =	shalt  }
0x77: {  	_ =	shalt  }
0x78: {  	_ =	shalt  }
0x79: {  	_ =	shalt  }
0x7a: {  	_ =	shalt  }
0x7b: {  	_ =	shalt  }
0x7c: {  	_ =	shalt  }
0x7d: {  	_ =	shalt  }
0x7e: {  	_ =	shalt  }
0x7f: {  	_ =	shalt  }
0x80: {  	_ =	shalt  }
0x81: {  	_ =	shalt  }
0x82: {  	_ =	shalt  }
0x83: {  	_ =	shalt  }
0x84: {  	_ =	shalt  }
0x85: {  	_ =	shalt  }
0x86: {  	_ =	shalt  }
0x87: {  	_ =	shalt  }
.Lfunc_end0:
.L_simem_size_0:
called_computation_lowered:
.L_overlay_start_0:
0x88: {  	s2 =	sld [smem:$0x3FD9]  }
0x89: {  	s3 =	sld [smem:$0x3FFE];
	_ =	sdelay $0x1  }
0x8a: {  	s1 =	srdreg.scid  }
0x8b: {  	s0 =	sand.u32 $0x1, s1  }
0x8c: {  	s17 =	sshll.u32 s0, $0xA;
	s2 =	sadd.s32 s3, s2  }
0x8d: {  	s2 =	sadd.s32 s2, s17  }
0x8e: {  	[smem:$0x3FBE] =	sst s2  }
0x8f: {  	_ = 	snop  }
0x90: {  	s2 =	sld [smem:$0x3FD0];
	(tm) =	ssettm $0x1  }
0x91: {  	s18 =	sld [smem:$0x3FFB];
	_ =	sdelay $0x3  }
0x92: {  	_ =	strace s18  }
0x93: {  	s3 =	sld [smem:$0x3FFC];
	_ =	sdelay $0x3  }
0x94: {  	_ =	strace s3  }
0x95: {  	s3 =	sld [smem:$0x3FFD];
	_ =	sdelay $0x3  }
0x96: {  	_ =	strace s3  }
0x97: {  	_ =	strace $0x8FFFFFFF  }
0x98: {  	s19 =	sld [smem:$0x3FDB];
	_ =	sdelay $0x1  }
0x99: {  	s4 =	simm.s32 $_scs_section_size  }
0x9a: {  	s5 =	simm.s32 $_size__tile_overlayer_lowered;
	s6 =	simm.s32 $_tile_overlayer_lowered  }
0x9b: {  	s22 =	simm.s32 $0x1BFF;
	s21 =	sshll.u32 s6, $0x1;
	s3 =	sadd.s32 s4, s19  }
0x9c: {  	s7 =	simm.s32 $0x0;
	s20 =	sshll.u32 s5, $0x1;
	s5 =	sadd.s32 s21, s3  }
0x9d: {  	[timem:s7], [sflag:s22] =	dma.local [hbm:s5], s20  }
0x9e: {  	_ =	swait.ge [sflag:s22], s20  }
0x9f: {  	s4 =	ssub.s32 $0x0, s20;
	[sflag:s22] =	ssyncset.done $0x0  }
0xa0: {  	[sflag:s22] =	ssyncadd.s32 s4;
	_ =	sdelay $0x1  }
0xa1: {  	s23 =	simm.s32 $0x1B8B  }
0xa2: {  	_ =	swait.ge [sflag:s23], $0x1  }
0xa3: {  	[sflag:s23] =	ssyncset.done $0x0  }
0xa4: {  	s25 =	simm.s32 $0x1B8E;
	s24 =	sld [smem:$0x3FFE];
	[sflag:s23] =	ssyncadd.s32 $0xFFFFFFFF  }
0xa5: {  	s26 =	simm.s32 $execute0_lowered;
	[smem:$0x3FD2] =	sst s25  }
0xa6: {  	s5 =	sshll.u32 s26, $0x1;
	_ =	strace $0x80000046;
	[dreg:$0x1] =	wrdreg $0xFFFFFFFF  }
0xa7: {  	s28 =	simm.s32 $_size_execute0_lowered;
	s3 =	sadd.s32 s3, s5;
	[dreg:$0x0] =	wrdreg $0x0  }
0xa8: {  	s5 =	sshll.u32 s28, $0x1;
	[dreg:$0x2] =	wrdreg s3  }
0xa9: {  	[dreg:$0x3] =	wrdreg s5  }
0xaa: {  	[dreg:$0x4] =	wrdreg $0xC0  }
0xab: {  	_ =	task [dreg:s7], $0x5FFFF  }
0xac: {  	[dreg:$0x1] =	wrdreg $0xFFFFFFFF  }
0xad: {  	[dreg:$0x0] =	wrdreg $0x60  }
0xae: {  	[dreg:$0x2] =	wrdreg s24  }
0xaf: {  	[dreg:$0x3] =	wrdreg s2  }
0xb0: {  	[dreg:$0x4] =	wrdreg $0x160000  }
0xb1: {  	[dreg:$0x5] =	wrdreg $0x9  }
0xb2: {  	_ =	task.clear_ibuf [dreg:s7], $0x6FFFF;
	_ =	strace $0x90000046  }
0xb3: {  	s29 =	simm.s32 $0x9;
	_ =	strace $0x80000048  }
0xb4: {  	_ =	swait.ge [sflag:s29], $0x1  }
0xb5: {  	[sflag:s29] =	ssyncadd.s32 $0xFFFFFFFF  }
0xb6: {  	_ =	strace $0x90000048  }
0xb7: {  	_ =	sfence  }
0xb8: {  	s30 =	sld [smem:$0x0];
	_ =	sdelay $0x2  }
0xb9: {  	s31 =	sshll.u32 s1, $0xD;
	s1 =	sshrl.u32 s1, $0x2  }
0xba: {  	s3 =	sand.u32 $0x4000, s31;
	s1 =	sadd.s32 s1, s30  }
0xbb: {  	s0 =	sor.u32 s3, s0;
	s1 =	sshll.u32 s1, $0x11  }
0xbc: {  	s0 =	sor.u32 s1, s0  }
0xbd: {  	s0 =	sadd.s32 $0x8F2B, s0  }
0xbe: {  	[sflag:s0] =	ssyncadd.remote.s32 $0x1  }
0xbf: {  	_ =	sfence.sel $0xFFFF  }
0xc0: {  	[dreg:$0x0] =	wrdreg $0xFFFFFFFF;
	(pc) =	sbr.abs _section_cstart, $3  }
0xc1: {  	[dreg:$0x1] =	wrdreg $0xFFFFFFFF  }
0xc2: {  	_ =	task.clear_ibuf [dreg:s7], $0x2FFFF;
	_ =	strace $0x9FFFFFFF  }
0xc3: {  	(tm) =	ssettm $0x7FFFFFFF  }
tec
execute0_lowered:
.L_overlay_start_1:
0x0: {  	(tag) =	ssettag $0x1  }
0x1: {  	s5 =	rddreg [dreg:$0x0]  }
0x2: {  	s0 =	srdreg.scid;
	s6 =	rddreg [dreg:$0x1]  }
0x3: {  	s2 =	rddreg [dreg:$0x2];
	s3 =	simm.s32 $0x0;
	s10 =	simm.s32 $0x80  }
0x4: {  	s11 =	simm.s32 $0x400;
	s13 =	simm.s32 $0x3;
	s14 =	simm.s32 $0x1  }
0x5: {  	s15 =	simm.s32 $0x14000;
	s16 =	simm.s32 $0x15000;
	s17 =	simm.s32 $0xA000  }
0x6: {  	s18 =	simm.s32 $0x2;
	s19 =	simm.s32 $0x0;
	s4 =	sand.u32 $0x1, s0  }
0x7: {  	s0 =	stileid.u32;
	[smem:$0x7FF] =	sst s3;
	s1 =	sshll.u32 s4, $0x4  }
0x8: {  	s25 =	sshll.u32 s0, $0x7;
	s4 =	ssub.s32 $0x2, s4;
	s1 =	sor.u32 s0, s1  }
0x9: {  	s29 =	smul.u32 $0x4F00, s0;
	s31 =	sshll.u32 s0, $0x6;
	s1 =	sshrl.u32 s1, $0x3  }
0xa: {  	s8 =	sand.u32 $0x380, s25;
	s28 =	sshrl.u32 s4, $0x1;
	s7 =	smul.u32 $0x50000, s1  }
0xb: {  	s9 =	ssub.s32 s4, s28;
	s12 =	sadd.s32 s29, s2;
	s30 =	sshrl.u32 s29, $0x3  }
0xc: {  	s1 =	rddreg [dreg:$0x3];
	_ =	strace $0x80000047;
	s7 =	sor.u32 s8, s7  }
0xd: {  	s9 =	smax.u32 s9, $0x1;
	s12 =	sshrl.u32 s12, $0x3;
	s7 =	sshrl.u32 s7, $0x3  }
0xe: {  	s26 =	sadd.s32 s7, s5;
	s5 =	sadd.s32 s6, s30;
	s6 =	sor.u32 $0x1C03, s31  }
0xf: {  	v0 =	vimm.f32 $0.0e+00;
	s7 =	sadd.s32 $0x4E000, s2;
	s4 =	sadd.s32 $0x1200, s26;
	s8 =	sadd.s32 $0x29200, s26  }
.LBB2_1:
0x10: {  	[tilespmem:s3], [sflag:$0x1] =	stream.strided.gather [hbm4b:s4+s10], $0xA000, s11, s10, $0x38;
	[tilespmem:$0x1AF00] =	vst v63  }
0x11: {  	[spmem:s12], [sflag:s6] =	dma.local [hbm:s5], $0x9E0  }
0x12: {  	_ =	swait.ge [sflag:s13], $0x9E0  }
0x13: {  	[sflag:s13] =	ssyncset.done $0x0  }
0x14: {  	s20 =	simm.s32 $0x40;
	s21 =	simm.s32 $0x0;
	[sflag:s13] =	ssyncadd.s32 $0xFFFFF620  }
.LBB2_2:
0x15: {  	p0 =	sne.s32 s20, $0x27FC0;
	[tilespmem:s21+$0xA000] =	vst v0;
	s21 =	smov.u32 s20;
	s20 =	sadd.s32 $0x40, s20  }
.Ltmp0:
0x16: {  	(pc) =	sbr.rel @p0 .LBB2_2-.Ltmp0, $2  }
0x17: {  	_ =	sdelay $0x2  }
0x18: {  	s21 =	sshra.s32 s21, $0x2  }
0x19: {  	[tilespmem:s21+$0xA000] =	vst v0  }
0x1a: {  	_ =	swait.ge [sflag:s14], $0xA000  }
0x1b: {  	[sflag:s14] =	ssyncset.done $0x0  }
0x1c: {  	[sflag:s14] =	ssyncadd.s32 $0xFFFF6000  }
0x1d: {  	s20 =	simm.s32 $0x0;
	[bflag:$0x0] =	sbarrier.arrive $0xFFFF  }
.LBB2_4:
0x1e: {  	s21 =	sshll.u32 s20, $0xD  }
0x1f: {  	s21 =	sand.u32 $0x3FFFE000, s21  }
0x20: {  	s21 =	sadd.s32 s21, s2  }
0x21: {  	[tilespmem:s15], [sflag:$0x1] =	stream.linear.gather [spmem:s21], $0x1000, $0x38;
	[tilespmem:$0x1AF00] =	vst v63  }
0x22: {  	s21 =	sadd.s32 $0x1000, s21  }
0x23: {  	[tilespmem:s16], [sflag:$0x2] =	stream.linear.gather [spmem:s21], $0x1000, $0x38;
	[tilespmem:$0x1AF00] =	vst v63  }
0x24: {  	_ =	swait.ge [sflag:s14], $0x1000  }
0x25: {  	[sflag:s14] =	ssyncset.done $0x0  }
0x26: {  	s30 =	simm.s32 $0x14020;
	[sflag:s14] =	ssyncadd.s32 $0xFFFFF000  }
0x27: {  	v1 =	vld [tilespmem:s30+$0x0]  }
0x28: {  	v2 =	vld [tilespmem:s30+$0xFFFFFFE0]  }
0x29: {  	v3 =	vld [tilespmem:s30+$0xFFFFFFF0];
	_ =	sdelay $0x2  }
0x2a: {  	v4 =	vand.u32 $0xFFFF, v1  }
0x2b: {  	v5 =	vand.u32 $0xFFFF, v2  }
0x2c: {  	v6 =	vand.u32 $0xFFFF, v3;
	v7 =	vshrl.u32 v3, $0x10;
	v8 =	vshrl.u32 v2, $0x10  }
0x2d: {  	v13 =	vshrl.u32 v1, $0x10;
	v1 =	vand.u32 $0x7F, v1;
	v2 =	vand.u32 $0x7F, v2  }
0x2e: {  	v3 =	vand.u32 $0x7F, v3;
	v9 =	vadd.s32 $0x2800, v6;
	v10 =	vadd.s32 $0x2800, v5  }
0x2f: {  	v11 =	vadd.s32 $0x2800, v4;
	v14 =	vadd.s32 $0x2800, v8;
	v16 =	vadd.s32 $0x2800, v7;
	v12 =	vld.idx.msk [tilespmem:v4+s3+$0x0], $0xffff  }
0x30: {  	v18 =	vadd.s32 $0x2800, v13;
	v19 =	vadd.s32 $0x5000, v4;
	v11 =	vand.u32 $0x1FF80, v11;
	v15 =	vld.idx.msk [tilespmem:v5+s3+$0x0], $0xffff  }
0x31: {  	v20 =	vand.u32 $0x7F, v8;
	v21 =	vadd.s32 $0x5000, v5;
	v11 =	vor.u32 v1, v11  }
0x32: {  	s31 =	simm.s32 $0x14050;
	v22 =	vadd.s32 $0x5000, v6;
	v23 =	vadd.s32 $0x5000, v7;
	v9 =	vand.u32 $0x1FF80, v9;
	v17 =	vld.idx.msk [tilespmem:v6+s3+$0x0], $0xffff  }
0x33: {  	v24 =	vld [tilespmem:s31+$0xFFFFFFF0];
	v10 =	vand.u32 $0x1FF80, v10;
	v14 =	vand.u32 $0x1FF80, v14;
	v16 =	vand.u32 $0x1FF80, v16  }
0x34: {  	v18 =	vand.u32 $0x1FF80, v18;
	v19 =	vand.u32 $0x1FF80, v19;
	v10 =	vor.u32 v2, v10;
	[tilespmem:v13+s17+$0x0] =	vst.idx.add.f32.msk $0xffff, v12  }
0x35: {  	v9 =	vor.u32 v3, v9;
	v4 =	vadd.s32 $0x7800, v4;
	v12 =	vand.u32 $0x7F, v13;
	[tilespmem:v8+s17+$0x0] =	vst.idx.add.f32.msk $0xffff, v15  }
0x36: {  	v21 =	vand.u32 $0x1FF80, v21;
	v4 =	vand.u32 $0x1FF80, v4;
	v11 =	vld.idx.msk [tilespmem:v11+s3+$0x0], $0xffff;
	v18 =	vor.u32 v12, v18  }
0x37: {  	v23 =	vand.u32 $0x1FF80, v23;
	v4 =	vor.u32 v1, v4;
	v15 =	vor.u32 v1, v19;
	[tilespmem:v7+s17+$0x0] =	vst.idx.add.f32.msk $0xffff, v17  }
0x38: {  	v17 =	vand.u32 $0x1FF80, v22;
	v22 =	vadd.s32 $0x5000, v8;
	v1 =	vadd.s32 $0x7800, v8;
	v8 =	vld [tilespmem:s31+$0xFFFFFFE0]  }
0x39: {  	v14 =	vor.u32 v20, v14;
	v5 =	vadd.s32 $0x7800, v5;
	v6 =	vadd.s32 $0x7800, v6;
	v10 =	vld.idx.msk [tilespmem:v10+s3+$0x0], $0xffff  }
0x3a: {  	v21 =	vor.u32 v2, v21;
	v5 =	vand.u32 $0x1FF80, v5;
	v6 =	vand.u32 $0x1FF80, v6;
	v9 =	vld.idx.msk [tilespmem:v9+s3+$0x0], $0xffff  }
0x3b: {  	v25 =	vor.u32 v2, v5;
	v19 =	vand.u32 $0x7F, v7;
	[tilespmem:v18+s17+$0x0] =	vst.idx.add.f32.msk $0xffff, v11;
	v11 =	vadd.s32 $0x5000, v13  }
0x3c: {  	v2 =	vadd.s32 $0x7800, v7;
	v16 =	vor.u32 v19, v16;
	v18 =	vld [tilespmem:s31+$0x0];
	v11 =	vand.u32 $0x1FF80, v11  }
0x3d: {  	v2 =	vand.u32 $0x1FF80, v2;
	v17 =	vor.u32 v3, v17;
	v15 =	vld.idx.msk [tilespmem:v15+s3+$0x0], $0xffff;
	v11 =	vor.u32 v12, v11  }
0x3e: {  	v22 =	vand.u32 $0x1FF80, v22;
	v23 =	vor.u32 v19, v23;
	v1 =	vand.u32 $0x1FF80, v1  }
0x3f: {  	v3 =	vor.u32 v3, v6;
	v26 =	vor.u32 v20, v1;
	v1 =	vadd.s32 $0x7800, v13;
	[tilespmem:v14+s17+$0x0] =	vst.idx.add.f32.msk $0xffff, v10  }
0x40: {  	v22 =	vor.u32 v20, v22;
	v20 =	vand.u32 $0x7F, v24;
	v5 =	vand.u32 $0x1FF80, v1;
	v7 =	vld.idx.msk [tilespmem:v21+s3+$0x0], $0xffff  }
0x41: {  	v1 =	vor.u32 v19, v2;
	v19 =	vshrl.u32 v24, $0x10;
	[tilespmem:v16+s17+$0x0] =	vst.idx.add.f32.msk $0xffff, v9;
	v10 =	vand.u32 $0xFFFF, v8  }
0x42: {  	v5 =	vor.u32 v12, v5;
	v28 =	vand.u32 $0x7F, v19;
	[tilespmem:v11+s17+$0x0] =	vst.idx.add.f32.msk $0xffff, v15;
	v15 =	vand.u32 $0xFFFF, v18  }
0x43: {  	v29 =	vadd.s32 $0x5000, v19;
	v14 =	vand.u32 $0x7F, v8;
	v9 =	vadd.s32 $0x2800, v10;
	v2 =	vld.idx.msk [tilespmem:v4+s3+$0x0], $0xffff  }
0x44: {  	v27 =	vadd.s32 $0x5000, v10;
	v9 =	vand.u32 $0x1FF80, v9;
	v11 =	vshrl.u32 v8, $0x10;
	v8 =	vld.idx.msk [tilespmem:v17+s3+$0x0], $0xffff  }
0x45: {  	v61 =	vand.u32 $0x1FF80, v29;
	v27 =	vand.u32 $0x1FF80, v27;
	v16 =	vor.u32 v14, v9;
	[tilespmem:v22+s17+$0x0] =	vst.idx.add.f32.msk $0xffff, v7  }
0x46: {  	v17 =	vld.idx.msk [tilespmem:v10+s3+$0x0], $0xffff;
	v10 =	vadd.s32 $0x7800, v10;
	v4 =	vand.u32 $0xFFFF, v24;
	v12 =	vadd.s32 $0x2800, v11  }
0x47: {  	v6 =	vadd.s32 $0x2800, v4;
	v9 =	vand.u32 $0x1FF80, v12;
	v12 =	vadd.s32 $0x2800, v15;
	v13 =	vld.idx.msk [tilespmem:v15+s3+$0x0], $0xffff  }
0x48: {  	v12 =	vand.u32 $0x1FF80, v12;
	[tilespmem:v5+s17+$0x0] =	vst.idx.add.f32.msk $0xffff, v2;
	v2 =	vshrl.u32 v18, $0x10;
	v5 =	vand.u32 $0x7F, v18  }
0x49: {  	v60 =	vadd.s32 $0x5000, v15;
	v6 =	vand.u32 $0x1FF80, v6;
	[tilespmem:v23+s17+$0x0] =	vst.idx.add.f32.msk $0xffff, v8;
	v12 =	vor.u32 v5, v12  }
0x4a: {  	v63 =	vadd.s32 $0x7800, v11;
	v21 =	vor.u32 v20, v6;
	v6 =	vadd.s32 $0x2800, v19;
	v23 =	vld.idx.msk [tilespmem:v25+s3+$0x0], $0xffff  }
0x4b: {  	v22 =	vadd.s32 $0x5000, v4;
	v6 =	vand.u32 $0x1FF80, v6;
	v8 =	vor.u32 v14, v27;
	[tilespmem:v11+s17+$0x0] =	vst.idx.add.f32.msk $0xffff, v17  }
0x4c: {  	v18 =	vand.u32 $0x7F, v11;
	v57 =	vld.idx.msk [tilespmem:v4+s3+$0x0], $0xffff;
	v7 =	vor.u32 v28, v6;
	v6 =	vand.u32 $0x1FF80, v22  }
0x4d: {  	v22 =	vadd.s32 $0x5000, v11;
	v4 =	vadd.s32 $0x7800, v4;
	v58 =	vadd.s32 $0x2800, v2;
	[tilespmem:v2+s17+$0x0] =	vst.idx.add.f32.msk $0xffff, v13  }
0x4e: {  	v6 =	vor.u32 v20, v6;
	v13 =	vand.u32 $0x7F, v2;
	v59 =	vld.idx.msk [tilespmem:v12+s3+$0x0], $0xffff;
	v12 =	vand.u32 $0x1FF80, v58  }
0x4f: {  	v17 =	vld.idx.msk [tilespmem:v16+s3+$0x0], $0xffff;
	v4 =	vand.u32 $0x1FF80, v4;
	v30 =	vor.u32 v13, v12;
	v12 =	vand.u32 $0x1FF80, v60  }
0x50: {  	v4 =	vor.u32 v20, v4;
	v20 =	vadd.s32 $0x5000, v2;
	[tilespmem:v26+s17+$0x0] =	vst.idx.add.f32.msk $0xffff, v23;
	v62 =	vor.u32 v5, v12  }
0x51: {  	v9 =	vor.u32 v18, v9;
	v22 =	vand.u32 $0x1FF80, v22;
	v20 =	vand.u32 $0x1FF80, v20;
	[tilespmem:v19+s17+$0x0] =	vst.idx.add.f32.msk $0xffff, v57  }
0x52: {  	v19 =	vadd.s32 $0x7800, v19;
	v16 =	vld.idx.msk [tilespmem:v21+s3+$0x0], $0xffff;
	v12 =	vor.u32 v18, v22;
	v22 =	vand.u32 $0x1FF80, v10  }
0x53: {  	v21 =	vand.u32 $0x1FF80, v63;
	v19 =	vand.u32 $0x1FF80, v19;
	v11 =	vor.u32 v14, v22;
	v14 =	vld.idx.msk [tilespmem:v3+s3+$0x0], $0xffff  }
0x54: {  	v10 =	vor.u32 v28, v61;
	v3 =	vor.u32 v18, v21;
	v21 =	vadd.s32 $0x7800, v15;
	[tilespmem:v30+s17+$0x0] =	vst.idx.add.f32.msk $0xffff, v59  }
0x55: {  	s22 =	simm.s32 $0x14080;
	s21 =	simm.s32 $0x3;
	v15 =	vor.u32 v28, v19;
	v19 =	vor.u32 v13, v20;
	v20 =	vand.u32 $0x1FF80, v21;
	v18 =	vld.idx.msk [tilespmem:v62+s3+$0x0], $0xffff  }
.LBB2_5:
0x56: {  	v21 =	vld [tilespmem:s22+$0x0];
	v5 =	vor.u32 v5, v20  }
0x57: {  	s21 =	sadd.s32 $0x3, s21;
	v20 =	vld [tilespmem:s22+$0xFFFFFFF0]  }
0x58: {  	p0 =	slt.u32 s21, $0xFC;
	v22 =	vld [tilespmem:s22+$0xFFFFFFE0]  }
0x59: {  	[tilespmem:v9+s17+$0x0] =	vst.idx.add.f32.msk $0xffff, v17  }
0x5a: {  	v2 =	vadd.s32 $0x7800, v2;
	[tilespmem:v19+s17+$0x0] =	vst.idx.add.f32.msk $0xffff, v18  }
0x5b: {  	v2 =	vand.u32 $0x1FF80, v2;
	v19 =	vand.u32 $0xFFFF, v21;
	v5 =	vld.idx.msk [tilespmem:v5+s3+$0x0], $0xffff  }
0x5c: {  	v2 =	vor.u32 v13, v2;
	v17 =	vand.u32 $0xFFFF, v20;
	v18 =	vshrl.u32 v20, $0x10;
	[tilespmem:v7+s17+$0x0] =	vst.idx.add.f32.msk $0xffff, v16  }
0x5d: {  	v16 =	vand.u32 $0xFFFF, v22;
	v23 =	vshrl.u32 v22, $0x10;
	v7 =	vadd.s32 $0x2800, v17;
	v8 =	vld.idx.msk [tilespmem:v8+s3+$0x0], $0xffff  }
0x5e: {  	v22 =	vand.u32 $0x7F, v22;
	v9 =	vadd.s32 $0x2800, v16;
	v7 =	vand.u32 $0x1FF80, v7;
	v6 =	vld.idx.msk [tilespmem:v6+s3+$0x0], $0xffff  }
0x5f: {  	v20 =	vand.u32 $0x7F, v20;
	v13 =	vadd.s32 $0x2800, v23;
	v9 =	vand.u32 $0x1FF80, v9;
	[tilespmem:v1+s17+$0x0] =	vst.idx.add.f32.msk $0xffff, v14;
	v1 =	vmovc v15  }
0x60: {  	v15 =	vor.u32 v20, v7;
	v7 =	vadd.s32 $0x2800, v18;
	v14 =	vor.u32 v22, v9;
	v24 =	vld.idx.msk [tilespmem:v19+s3+$0x0], $0xffff  }
0x61: {  	v9 =	vand.u32 $0x1FF80, v13;
	v7 =	vand.u32 $0x1FF80, v7;
	v13 =	vadd.s32 $0x2800, v19;
	[tilespmem:v2+s17+$0x0] =	vst.idx.add.f32.msk $0xffff, v5  }
0x62: {  	v2 =	vshrl.u32 v21, $0x10;
	v13 =	vand.u32 $0x1FF80, v13;
	v5 =	vand.u32 $0x7F, v21;
	v25 =	vld.idx.msk [tilespmem:v16+s3+$0x0], $0xffff  }
0x63: {  	v26 =	vadd.s32 $0x5000, v16;
	v21 =	vand.u32 $0x7F, v23;
	v28 =	vor.u32 v5, v13;
	v27 =	vld.idx.msk [tilespmem:v17+s3+$0x0], $0xffff  }
0x64: {  	v29 =	vand.u32 $0x7F, v18;
	v9 =	vor.u32 v21, v9;
	v13 =	vadd.s32 $0x5000, v17;
	[tilespmem:v12+s17+$0x0] =	vst.idx.add.f32.msk $0xffff, v8  }
0x65: {  	v7 =	vor.u32 v29, v7;
	v8 =	vand.u32 $0x1FF80, v26;
	v12 =	vand.u32 $0x1FF80, v13;
	[tilespmem:v10+s17+$0x0] =	vst.idx.add.f32.msk $0xffff, v6  }
0x66: {  	v8 =	vor.u32 v22, v8;
	v10 =	vadd.s32 $0x5000, v23;
	v6 =	vor.u32 v20, v12;
	v26 =	vld.idx.msk [tilespmem:v11+s3+$0x0], $0xffff  }
0x67: {  	v12 =	vadd.s32 $0x2800, v2;
	v10 =	vand.u32 $0x1FF80, v10;
	v11 =	vadd.s32 $0x5000, v18;
	[tilespmem:v2+s17+$0x0] =	vst.idx.add.f32.msk $0xffff, v24  }
0x68: {  	v13 =	vand.u32 $0x7F, v2;
	v12 =	vand.u32 $0x1FF80, v12;
	v24 =	vld.idx.msk [tilespmem:v28+s3+$0x0], $0xffff;
	v28 =	vadd.s32 $0x5000, v19  }
0x69: {  	v11 =	vand.u32 $0x1FF80, v11;
	[tilespmem:v23+s17+$0x0] =	vst.idx.add.f32.msk $0xffff, v25;
	v25 =	vor.u32 v13, v12;
	v12 =	vand.u32 $0x1FF80, v28  }
0x6a: {  	v16 =	vadd.s32 $0x7800, v16;
	[tilespmem:v18+s17+$0x0] =	vst.idx.add.f32.msk $0xffff, v27;
	v27 =	vadd.s32 $0x7800, v17;
	v28 =	vor.u32 v5, v12  }
0x6b: {  	v12 =	vor.u32 v21, v10;
	v10 =	vor.u32 v29, v11;
	v17 =	vld.idx.msk [tilespmem:v14+s3+$0x0], $0xffff;
	v14 =	vand.u32 $0x1FF80, v16  }
.Ltmp1:
0x6c: {  	v11 =	vor.u32 v22, v14;
	v14 =	vadd.s32 $0x7800, v23;
	v16 =	vld.idx.msk [tilespmem:v15+s3+$0x0], $0xffff;
	v15 =	vand.u32 $0x1FF80, v27;
	(pc) =	sbr.rel @p0 .LBB2_5-.Ltmp1, $4  }
0x6d: {  	v18 =	vadd.s32 $0x7800, v18;
	v22 =	vand.u32 $0x1FF80, v14;
	v14 =	vld.idx.msk [tilespmem:v4+s3+$0x0], $0xffff;
	v4 =	vor.u32 v20, v15  }
0x6e: {  	v15 =	vand.u32 $0x1FF80, v18;
	v20 =	vadd.s32 $0x5000, v2;
	v21 =	vor.u32 v21, v22;
	[tilespmem:v25+s17+$0x0] =	vst.idx.add.f32.msk $0xffff, v24  }
0x6f: {  	v15 =	vor.u32 v29, v15;
	v20 =	vand.u32 $0x1FF80, v20;
	v22 =	vadd.s32 $0x7800, v19;
	v18 =	vld.idx.msk [tilespmem:v28+s3+$0x0], $0xffff  }
0x70: {  	s22 =	sadd.s32 $0x30, s22;
	v19 =	vor.u32 v13, v20;
	v20 =	vand.u32 $0x1FF80, v22;
	[tilespmem:v3+s17+$0x0] =	vst.idx.add.f32.msk $0xffff, v26;
	v3 =	vmov v21  }
0x71: {  	_ =	sdelay $0x3  }
0x72: {  	[tilespmem:v9+s17+$0x0] =	vst.idx.add.f32.msk $0xffff, v17  }
0x73: {  	v5 =	vor.u32 v5, v20;
	[tilespmem:v7+s17+$0x0] =	vst.idx.add.f32.msk $0xffff, v16  }
0x74: {  	v7 =	vld.idx.msk [tilespmem:v8+s3+$0x0], $0xffff  }
0x75: {  	v6 =	vld.idx.msk [tilespmem:v6+s3+$0x0], $0xffff;
	_ =	sdelay $0x1  }
0x76: {  	[tilespmem:v19+s17+$0x0] =	vst.idx.add.f32.msk $0xffff, v18  }
0x77: {  	v2 =	vadd.s32 $0x7800, v2;
	v5 =	vld.idx.msk [tilespmem:v5+s3+$0x0], $0xffff  }
0x78: {  	v2 =	vand.u32 $0x1FF80, v2;
	[tilespmem:v12+s17+$0x0] =	vst.idx.add.f32.msk $0xffff, v7  }
0x79: {  	v2 =	vor.u32 v13, v2;
	[tilespmem:v10+s17+$0x0] =	vst.idx.add.f32.msk $0xffff, v6  }
0x7a: {  	v6 =	vld.idx.msk [tilespmem:v11+s3+$0x0], $0xffff  }
0x7b: {  	v4 =	vld.idx.msk [tilespmem:v4+s3+$0x0], $0xffff;
	_ =	sdelay $0x1  }
0x7c: {  	[tilespmem:v1+s17+$0x0] =	vst.idx.add.f32.msk $0xffff, v14  }
0x7d: {  	[tilespmem:v2+s17+$0x0] =	vst.idx.add.f32.msk $0xffff, v5  }
0x7e: {  	[tilespmem:v3+s17+$0x0] =	vst.idx.add.f32.msk $0xffff, v6  }
0x7f: {  	[tilespmem:v15+s17+$0x0] =	vst.idx.add.f32.msk $0xffff, v4  }
0x80: {  	v1 =	vld [tilespmem:$0x14FF0];
	_ =	sdelay $0x4  }
0x81: {  	v2 =	vand.u32 $0xFFFF, v1;
	_ =	sdelay $0x3  }
0x82: {  	v3 =	vadd.s32 $0x2800, v2  }
0x83: {  	v4 =	vshrl.u32 v1, $0x10;
	v1 =	vand.u32 $0x7F, v1;
	v3 =	vand.u32 $0x1FF80, v3;
	v5 =	vld.idx.msk [tilespmem:v2+s3+$0x0], $0xffff  }
0x84: {  	v3 =	vor.u32 v1, v3;
	_ =	sdelay $0x2  }
0x85: {  	v6 =	vadd.s32 $0x2800, v4  }
0x86: {  	v7 =	vand.u32 $0x7F, v4;
	[tilespmem:v4+s17+$0x0] =	vst.idx.add.f32.msk $0xffff, v5;
	v5 =	vand.u32 $0x1FF80, v6;
	v6 =	vadd.s32 $0x5000, v2  }
0x87: {  	v3 =	vld.idx.msk [tilespmem:v3+s3+$0x0], $0xffff;
	v5 =	vor.u32 v7, v5;
	v6 =	vand.u32 $0x1FF80, v6  }
0x88: {  	v6 =	vor.u32 v1, v6;
	_ =	sdelay $0x2  }
0x89: {  	v8 =	vadd.s32 $0x5000, v4  }
0x8a: {  	v2 =	vadd.s32 $0x7800, v2;
	[tilespmem:v5+s17+$0x0] =	vst.idx.add.f32.msk $0xffff, v3;
	v3 =	vand.u32 $0x1FF80, v8  }
0x8b: {  	v2 =	vand.u32 $0x1FF80, v2;
	v5 =	vld.idx.msk [tilespmem:v6+s3+$0x0], $0xffff;
	v3 =	vor.u32 v7, v3  }
0x8c: {  	v1 =	vor.u32 v1, v2;
	_ =	sdelay $0x2  }
0x8d: {  	v2 =	vadd.s32 $0x7800, v4  }
0x8e: {  	v2 =	vand.u32 $0x1FF80, v2;
	[tilespmem:v3+s17+$0x0] =	vst.idx.add.f32.msk $0xffff, v5  }
0x8f: {  	v2 =	vor.u32 v7, v2;
	v1 =	vld.idx.msk [tilespmem:v1+s3+$0x0], $0xffff;
	_ =	sdelay $0x4  }
0x90: {  	[tilespmem:v2+s17+$0x0] =	vst.idx.add.f32.msk $0xffff, v1  }
0x91: {  	_ =	swait.ge [sflag:s18], $0x1000  }
0x92: {  	[sflag:s18] =	ssyncset.done $0x0  }
0x93: {  	s21 =	simm.s32 $0x15020;
	[sflag:s18] =	ssyncadd.s32 $0xFFFFF000  }
0x94: {  	v1 =	vld [tilespmem:s21+$0x0]  }
0x95: {  	v2 =	vld [tilespmem:s21+$0xFFFFFFE0]  }
0x96: {  	v3 =	vld [tilespmem:s21+$0xFFFFFFF0];
	_ =	sdelay $0x2  }
0x97: {  	v4 =	vand.u32 $0xFFFF, v1  }
0x98: {  	v5 =	vand.u32 $0xFFFF, v2  }
0x99: {  	v6 =	vand.u32 $0xFFFF, v3;
	v7 =	vshrl.u32 v3, $0x10;
	v8 =	vshrl.u32 v2, $0x10  }
0x9a: {  	v13 =	vshrl.u32 v1, $0x10;
	v1 =	vand.u32 $0x7F, v1;
	v2 =	vand.u32 $0x7F, v2  }
0x9b: {  	v3 =	vand.u32 $0x7F, v3;
	v9 =	vadd.s32 $0x2800, v6;
	v10 =	vadd.s32 $0x2800, v5  }
0x9c: {  	v11 =	vadd.s32 $0x2800, v4;
	v14 =	vadd.s32 $0x2800, v8;
	v16 =	vadd.s32 $0x2800, v7;
	v12 =	vld.idx.msk [tilespmem:v4+s3+$0x0], $0xffff  }
0x9d: {  	v18 =	vadd.s32 $0x2800, v13;
	v19 =	vadd.s32 $0x5000, v4;
	v11 =	vand.u32 $0x1FF80, v11;
	v15 =	vld.idx.msk [tilespmem:v5+s3+$0x0], $0xffff  }
0x9e: {  	v20 =	vand.u32 $0x7F, v8;
	v21 =	vadd.s32 $0x5000, v5;
	v11 =	vor.u32 v1, v11  }
0x9f: {  	s31 =	simm.s32 $0x15050;
	v22 =	vadd.s32 $0x5000, v6;
	v23 =	vadd.s32 $0x5000, v7;
	v9 =	vand.u32 $0x1FF80, v9;
	v17 =	vld.idx.msk [tilespmem:v6+s3+$0x0], $0xffff  }
0xa0: {  	v24 =	vld [tilespmem:s31+$0xFFFFFFF0];
	v10 =	vand.u32 $0x1FF80, v10;
	v14 =	vand.u32 $0x1FF80, v14;
	v16 =	vand.u32 $0x1FF80, v16  }
0xa1: {  	v18 =	vand.u32 $0x1FF80, v18;
	v19 =	vand.u32 $0x1FF80, v19;
	v10 =	vor.u32 v2, v10;
	[tilespmem:v13+s17+$0x0] =	vst.idx.add.f32.msk $0xffff, v12  }
0xa2: {  	v9 =	vor.u32 v3, v9;
	v4 =	vadd.s32 $0x7800, v4;
	v12 =	vand.u32 $0x7F, v13;
	[tilespmem:v8+s17+$0x0] =	vst.idx.add.f32.msk $0xffff, v15  }
0xa3: {  	v21 =	vand.u32 $0x1FF80, v21;
	v4 =	vand.u32 $0x1FF80, v4;
	v11 =	vld.idx.msk [tilespmem:v11+s3+$0x0], $0xffff;
	v18 =	vor.u32 v12, v18  }
0xa4: {  	v23 =	vand.u32 $0x1FF80, v23;
	v4 =	vor.u32 v1, v4;
	v15 =	vor.u32 v1, v19;
	[tilespmem:v7+s17+$0x0] =	vst.idx.add.f32.msk $0xffff, v17  }
0xa5: {  	v17 =	vand.u32 $0x1FF80, v22;
	v22 =	vadd.s32 $0x5000, v8;
	v1 =	vadd.s32 $0x7800, v8;
	v8 =	vld [tilespmem:s31+$0xFFFFFFE0]  }
0xa6: {  	v14 =	vor.u32 v20, v14;
	v5 =	vadd.s32 $0x7800, v5;
	v6 =	vadd.s32 $0x7800, v6;
	v10 =	vld.idx.msk [tilespmem:v10+s3+$0x0], $0xffff  }
0xa7: {  	v21 =	vor.u32 v2, v21;
	v5 =	vand.u32 $0x1FF80, v5;
	v6 =	vand.u32 $0x1FF80, v6;
	v9 =	vld.idx.msk [tilespmem:v9+s3+$0x0], $0xffff  }
0xa8: {  	v25 =	vor.u32 v2, v5;
	v19 =	vand.u32 $0x7F, v7;
	[tilespmem:v18+s17+$0x0] =	vst.idx.add.f32.msk $0xffff, v11;
	v11 =	vadd.s32 $0x5000, v13  }
0xa9: {  	v2 =	vadd.s32 $0x7800, v7;
	v16 =	vor.u32 v19, v16;
	v18 =	vld [tilespmem:s31+$0x0];
	v11 =	vand.u32 $0x1FF80, v11  }
0xaa: {  	v2 =	vand.u32 $0x1FF80, v2;
	v17 =	vor.u32 v3, v17;
	v15 =	vld.idx.msk [tilespmem:v15+s3+$0x0], $0xffff;
	v11 =	vor.u32 v12, v11  }
0xab: {  	v22 =	vand.u32 $0x1FF80, v22;
	v23 =	vor.u32 v19, v23;
	v1 =	vand.u32 $0x1FF80, v1  }
0xac: {  	v3 =	vor.u32 v3, v6;
	v26 =	vor.u32 v20, v1;
	v1 =	vadd.s32 $0x7800, v13;
	[tilespmem:v14+s17+$0x0] =	vst.idx.add.f32.msk $0xffff, v10  }
0xad: {  	v22 =	vor.u32 v20, v22;
	v20 =	vand.u32 $0x7F, v24;
	v5 =	vand.u32 $0x1FF80, v1;
	v7 =	vld.idx.msk [tilespmem:v21+s3+$0x0], $0xffff  }
0xae: {  	v1 =	vor.u32 v19, v2;
	v19 =	vshrl.u32 v24, $0x10;
	[tilespmem:v16+s17+$0x0] =	vst.idx.add.f32.msk $0xffff, v9;
	v10 =	vand.u32 $0xFFFF, v8  }
0xaf: {  	v5 =	vor.u32 v12, v5;
	v28 =	vand.u32 $0x7F, v19;
	[tilespmem:v11+s17+$0x0] =	vst.idx.add.f32.msk $0xffff, v15;
	v15 =	vand.u32 $0xFFFF, v18  }
0xb0: {  	v29 =	vadd.s32 $0x5000, v19;
	v14 =	vand.u32 $0x7F, v8;
	v9 =	vadd.s32 $0x2800, v10;
	v2 =	vld.idx.msk [tilespmem:v4+s3+$0x0], $0xffff  }
0xb1: {  	v27 =	vadd.s32 $0x5000, v10;
	v9 =	vand.u32 $0x1FF80, v9;
	v11 =	vshrl.u32 v8, $0x10;
	v8 =	vld.idx.msk [tilespmem:v17+s3+$0x0], $0xffff  }
0xb2: {  	v61 =	vand.u32 $0x1FF80, v29;
	v27 =	vand.u32 $0x1FF80, v27;
	v16 =	vor.u32 v14, v9;
	[tilespmem:v22+s17+$0x0] =	vst.idx.add.f32.msk $0xffff, v7  }
0xb3: {  	v17 =	vld.idx.msk [tilespmem:v10+s3+$0x0], $0xffff;
	v10 =	vadd.s32 $0x7800, v10;
	v4 =	vand.u32 $0xFFFF, v24;
	v12 =	vadd.s32 $0x2800, v11  }
0xb4: {  	v6 =	vadd.s32 $0x2800, v4;
	v9 =	vand.u32 $0x1FF80, v12;
	v12 =	vadd.s32 $0x2800, v15;
	v13 =	vld.idx.msk [tilespmem:v15+s3+$0x0], $0xffff  }
0xb5: {  	v12 =	vand.u32 $0x1FF80, v12;
	[tilespmem:v5+s17+$0x0] =	vst.idx.add.f32.msk $0xffff, v2;
	v2 =	vshrl.u32 v18, $0x10;
	v5 =	vand.u32 $0x7F, v18  }
0xb6: {  	v60 =	vadd.s32 $0x5000, v15;
	v6 =	vand.u32 $0x1FF80, v6;
	[tilespmem:v23+s17+$0x0] =	vst.idx.add.f32.msk $0xffff, v8;
	v12 =	vor.u32 v5, v12  }
0xb7: {  	v63 =	vadd.s32 $0x7800, v11;
	v21 =	vor.u32 v20, v6;
	v6 =	vadd.s32 $0x2800, v19;
	v23 =	vld.idx.msk [tilespmem:v25+s3+$0x0], $0xffff  }
0xb8: {  	v22 =	vadd.s32 $0x5000, v4;
	v6 =	vand.u32 $0x1FF80, v6;
	v8 =	vor.u32 v14, v27;
	[tilespmem:v11+s17+$0x0] =	vst.idx.add.f32.msk $0xffff, v17  }
0xb9: {  	v18 =	vand.u32 $0x7F, v11;
	v57 =	vld.idx.msk [tilespmem:v4+s3+$0x0], $0xffff;
	v7 =	vor.u32 v28, v6;
	v6 =	vand.u32 $0x1FF80, v22  }
0xba: {  	v22 =	vadd.s32 $0x5000, v11;
	v4 =	vadd.s32 $0x7800, v4;
	v58 =	vadd.s32 $0x2800, v2;
	[tilespmem:v2+s17+$0x0] =	vst.idx.add.f32.msk $0xffff, v13  }
0xbb: {  	v6 =	vor.u32 v20, v6;
	v13 =	vand.u32 $0x7F, v2;
	v59 =	vld.idx.msk [tilespmem:v12+s3+$0x0], $0xffff;
	v12 =	vand.u32 $0x1FF80, v58  }
0xbc: {  	v17 =	vld.idx.msk [tilespmem:v16+s3+$0x0], $0xffff;
	v4 =	vand.u32 $0x1FF80, v4;
	v30 =	vor.u32 v13, v12;
	v12 =	vand.u32 $0x1FF80, v60  }
0xbd: {  	v4 =	vor.u32 v20, v4;
	v20 =	vadd.s32 $0x5000, v2;
	[tilespmem:v26+s17+$0x0] =	vst.idx.add.f32.msk $0xffff, v23;
	v62 =	vor.u32 v5, v12  }
0xbe: {  	v9 =	vor.u32 v18, v9;
	v22 =	vand.u32 $0x1FF80, v22;
	v20 =	vand.u32 $0x1FF80, v20;
	[tilespmem:v19+s17+$0x0] =	vst.idx.add.f32.msk $0xffff, v57  }
0xbf: {  	v19 =	vadd.s32 $0x7800, v19;
	v16 =	vld.idx.msk [tilespmem:v21+s3+$0x0], $0xffff;
	v12 =	vor.u32 v18, v22;
	v22 =	vand.u32 $0x1FF80, v10  }
0xc0: {  	v21 =	vand.u32 $0x1FF80, v63;
	v19 =	vand.u32 $0x1FF80, v19;
	v11 =	vor.u32 v14, v22;
	v14 =	vld.idx.msk [tilespmem:v3+s3+$0x0], $0xffff  }
0xc1: {  	v10 =	vor.u32 v28, v61;
	v3 =	vor.u32 v18, v21;
	v21 =	vadd.s32 $0x7800, v15;
	[tilespmem:v30+s17+$0x0] =	vst.idx.add.f32.msk $0xffff, v59  }
0xc2: {  	s22 =	simm.s32 $0x15080;
	s21 =	simm.s32 $0x3;
	v15 =	vor.u32 v28, v19;
	v19 =	vor.u32 v13, v20;
	v20 =	vand.u32 $0x1FF80, v21;
	v18 =	vld.idx.msk [tilespmem:v62+s3+$0x0], $0xffff  }
.LBB2_7:
0xc3: {  	v21 =	vld [tilespmem:s22+$0x0];
	v5 =	vor.u32 v5, v20  }
0xc4: {  	s21 =	sadd.s32 $0x3, s21;
	v20 =	vld [tilespmem:s22+$0xFFFFFFF0]  }
0xc5: {  	p0 =	slt.u32 s21, $0xFC;
	v22 =	vld [tilespmem:s22+$0xFFFFFFE0]  }
0xc6: {  	[tilespmem:v9+s17+$0x0] =	vst.idx.add.f32.msk $0xffff, v17  }
0xc7: {  	v2 =	vadd.s32 $0x7800, v2;
	[tilespmem:v19+s17+$0x0] =	vst.idx.add.f32.msk $0xffff, v18  }
0xc8: {  	v2 =	vand.u32 $0x1FF80, v2;
	v19 =	vand.u32 $0xFFFF, v21;
	v5 =	vld.idx.msk [tilespmem:v5+s3+$0x0], $0xffff  }
0xc9: {  	v2 =	vor.u32 v13, v2;
	v17 =	vand.u32 $0xFFFF, v20;
	v18 =	vshrl.u32 v20, $0x10;
	[tilespmem:v7+s17+$0x0] =	vst.idx.add.f32.msk $0xffff, v16  }
0xca: {  	v16 =	vand.u32 $0xFFFF, v22;
	v23 =	vshrl.u32 v22, $0x10;
	v7 =	vadd.s32 $0x2800, v17;
	v8 =	vld.idx.msk [tilespmem:v8+s3+$0x0], $0xffff  }
0xcb: {  	v22 =	vand.u32 $0x7F, v22;
	v9 =	vadd.s32 $0x2800, v16;
	v7 =	vand.u32 $0x1FF80, v7;
	v6 =	vld.idx.msk [tilespmem:v6+s3+$0x0], $0xffff  }
0xcc: {  	v20 =	vand.u32 $0x7F, v20;
	v13 =	vadd.s32 $0x2800, v23;
	v9 =	vand.u32 $0x1FF80, v9;
	[tilespmem:v1+s17+$0x0] =	vst.idx.add.f32.msk $0xffff, v14;
	v1 =	vmovc v15  }
0xcd: {  	v15 =	vor.u32 v20, v7;
	v7 =	vadd.s32 $0x2800, v18;
	v14 =	vor.u32 v22, v9;
	v24 =	vld.idx.msk [tilespmem:v19+s3+$0x0], $0xffff  }
0xce: {  	v9 =	vand.u32 $0x1FF80, v13;
	v7 =	vand.u32 $0x1FF80, v7;
	v13 =	vadd.s32 $0x2800, v19;
	[tilespmem:v2+s17+$0x0] =	vst.idx.add.f32.msk $0xffff, v5  }
0xcf: {  	v2 =	vshrl.u32 v21, $0x10;
	v13 =	vand.u32 $0x1FF80, v13;
	v5 =	vand.u32 $0x7F, v21;
	v25 =	vld.idx.msk [tilespmem:v16+s3+$0x0], $0xffff  }
0xd0: {  	v26 =	vadd.s32 $0x5000, v16;
	v21 =	vand.u32 $0x7F, v23;
	v28 =	vor.u32 v5, v13;
	v27 =	vld.idx.msk [tilespmem:v17+s3+$0x0], $0xffff  }
0xd1: {  	v29 =	vand.u32 $0x7F, v18;
	v9 =	vor.u32 v21, v9;
	v13 =	vadd.s32 $0x5000, v17;
	[tilespmem:v12+s17+$0x0] =	vst.idx.add.f32.msk $0xffff, v8  }
0xd2: {  	v7 =	vor.u32 v29, v7;
	v8 =	vand.u32 $0x1FF80, v26;
	v12 =	vand.u32 $0x1FF80, v13;
	[tilespmem:v10+s17+$0x0] =	vst.idx.add.f32.msk $0xffff, v6  }
0xd3: {  	v8 =	vor.u32 v22, v8;
	v10 =	vadd.s32 $0x5000, v23;
	v6 =	vor.u32 v20, v12;
	v26 =	vld.idx.msk [tilespmem:v11+s3+$0x0], $0xffff  }
0xd4: {  	v12 =	vadd.s32 $0x2800, v2;
	v10 =	vand.u32 $0x1FF80, v10;
	v11 =	vadd.s32 $0x5000, v18;
	[tilespmem:v2+s17+$0x0] =	vst.idx.add.f32.msk $0xffff, v24  }
0xd5: {  	v13 =	vand.u32 $0x7F, v2;
	v12 =	vand.u32 $0x1FF80, v12;
	v24 =	vld.idx.msk [tilespmem:v28+s3+$0x0], $0xffff;
	v28 =	vadd.s32 $0x5000, v19  }
0xd6: {  	v11 =	vand.u32 $0x1FF80, v11;
	[tilespmem:v23+s17+$0x0] =	vst.idx.add.f32.msk $0xffff, v25;
	v25 =	vor.u32 v13, v12;
	v12 =	vand.u32 $0x1FF80, v28  }
0xd7: {  	v16 =	vadd.s32 $0x7800, v16;
	[tilespmem:v18+s17+$0x0] =	vst.idx.add.f32.msk $0xffff, v27;
	v27 =	vadd.s32 $0x7800, v17;
	v28 =	vor.u32 v5, v12  }
0xd8: {  	v12 =	vor.u32 v21, v10;
	v10 =	vor.u32 v29, v11;
	v17 =	vld.idx.msk [tilespmem:v14+s3+$0x0], $0xffff;
	v14 =	vand.u32 $0x1FF80, v16  }
.Ltmp2:
0xd9: {  	v11 =	vor.u32 v22, v14;
	v14 =	vadd.s32 $0x7800, v23;
	v16 =	vld.idx.msk [tilespmem:v15+s3+$0x0], $0xffff;
	v15 =	vand.u32 $0x1FF80, v27;
	(pc) =	sbr.rel @p0 .LBB2_7-.Ltmp2, $4  }
0xda: {  	v18 =	vadd.s32 $0x7800, v18;
	v22 =	vand.u32 $0x1FF80, v14;
	v14 =	vld.idx.msk [tilespmem:v4+s3+$0x0], $0xffff;
	v4 =	vor.u32 v20, v15  }
0xdb: {  	v15 =	vand.u32 $0x1FF80, v18;
	v20 =	vadd.s32 $0x5000, v2;
	v21 =	vor.u32 v21, v22;
	[tilespmem:v25+s17+$0x0] =	vst.idx.add.f32.msk $0xffff, v24  }
0xdc: {  	v15 =	vor.u32 v29, v15;
	v20 =	vand.u32 $0x1FF80, v20;
	v22 =	vadd.s32 $0x7800, v19;
	v18 =	vld.idx.msk [tilespmem:v28+s3+$0x0], $0xffff  }
0xdd: {  	s22 =	sadd.s32 $0x30, s22;
	v19 =	vor.u32 v13, v20;
	v20 =	vand.u32 $0x1FF80, v22;
	[tilespmem:v3+s17+$0x0] =	vst.idx.add.f32.msk $0xffff, v26;
	v3 =	vmov v21  }
0xde: {  	_ =	sdelay $0x3  }
0xdf: {  	[tilespmem:v9+s17+$0x0] =	vst.idx.add.f32.msk $0xffff, v17  }
0xe0: {  	v5 =	vor.u32 v5, v20;
	[tilespmem:v7+s17+$0x0] =	vst.idx.add.f32.msk $0xffff, v16  }
0xe1: {  	v56 =	vld.idx.msk [tilespmem:v8+s3+$0x0], $0xffff  }
0xe2: {  	v6 =	vld.idx.msk [tilespmem:v6+s3+$0x0], $0xffff;
	_ =	sdelay $0x1  }
0xe3: {  	[tilespmem:v19+s17+$0x0] =	vst.idx.add.f32.msk $0xffff, v18  }
0xe4: {  	v2 =	vadd.s32 $0x7800, v2;
	v5 =	vld.idx.msk [tilespmem:v5+s3+$0x0], $0xffff  }
0xe5: {  	v2 =	vand.u32 $0x1FF80, v2;
	[tilespmem:v12+s17+$0x0] =	vst.idx.add.f32.msk $0xffff, v56  }
0xe6: {  	v2 =	vor.u32 v13, v2;
	[tilespmem:v10+s17+$0x0] =	vst.idx.add.f32.msk $0xffff, v6  }
0xe7: {  	v57 =	vld.idx.msk [tilespmem:v11+s3+$0x0], $0xffff  }
0xe8: {  	v4 =	vld.idx.msk [tilespmem:v4+s3+$0x0], $0xffff;
	_ =	sdelay $0x1  }
0xe9: {  	[tilespmem:v1+s17+$0x0] =	vst.idx.add.f32.msk $0xffff, v14  }
0xea: {  	[tilespmem:v2+s17+$0x0] =	vst.idx.add.f32.msk $0xffff, v5  }
0xeb: {  	[tilespmem:v3+s17+$0x0] =	vst.idx.add.f32.msk $0xffff, v57  }
0xec: {  	[tilespmem:v15+s17+$0x0] =	vst.idx.add.f32.msk $0xffff, v4  }
0xed: {  	v1 =	vld [tilespmem:$0x15FF0];
	_ =	sdelay $0x4  }
0xee: {  	v2 =	vand.u32 $0xFFFF, v1;
	_ =	sdelay $0x3  }
0xef: {  	v3 =	vadd.s32 $0x2800, v2  }
0xf0: {  	v58 =	vshrl.u32 v1, $0x10;
	v1 =	vand.u32 $0x7F, v1;
	v3 =	vand.u32 $0x1FF80, v3;
	v5 =	vld.idx.msk [tilespmem:v2+s3+$0x0], $0xffff  }
0xf1: {  	v3 =	vor.u32 v1, v3;
	_ =	sdelay $0x2  }
0xf2: {  	v59 =	vadd.s32 $0x2800, v58  }
0xf3: {  	v60 =	vand.u32 $0x7F, v58;
	v62 =	vadd.s32 $0x5000, v2;
	v61 =	vand.u32 $0x1FF80, v59;
	[tilespmem:v58+s17+$0x0] =	vst.idx.add.f32.msk $0xffff, v5  }
0xf4: {  	v6 =	vand.u32 $0x1FF80, v62;
	v5 =	vor.u32 v60, v61;
	v3 =	vld.idx.msk [tilespmem:v3+s3+$0x0], $0xffff  }
0xf5: {  	v6 =	vor.u32 v1, v6;
	_ =	sdelay $0x2  }
0xf6: {  	v63 =	vadd.s32 $0x5000, v58  }
0xf7: {  	v2 =	vadd.s32 $0x7800, v2;
	[tilespmem:v5+s17+$0x0] =	vst.idx.add.f32.msk $0xffff, v3;
	v3 =	vand.u32 $0x1FF80, v63  }
0xf8: {  	v2 =	vand.u32 $0x1FF80, v2;
	v5 =	vld.idx.msk [tilespmem:v6+s3+$0x0], $0xffff;
	v3 =	vor.u32 v60, v3  }
0xf9: {  	v1 =	vor.u32 v1, v2;
	_ =	sdelay $0x2  }
0xfa: {  	v2 =	vadd.s32 $0x7800, v58  }
0xfb: {  	s20 =	sadd.s32 $0x1, s20;
	v2 =	vand.u32 $0x1FF80, v2;
	[tilespmem:v3+s17+$0x0] =	vst.idx.add.f32.msk $0xffff, v5  }
0xfc: {  	p0 =	sne.s32 s20, $0x27;
	v2 =	vor.u32 v60, v2;
	v1 =	vld.idx.msk [tilespmem:v1+s3+$0x0], $0xffff  }
.Ltmp3:
0xfd: {  	_ = 	snop;
	(pc) =	sbr.rel @p0 .LBB2_4-.Ltmp3, $2  }
0xfe: {  	_ =	sdelay $0x2  }
0xff: {  	[tilespmem:v2+s17+$0x0] =	vst.idx.add.f32.msk $0xffff, v1  }
0x100: {  	[tilespmem:s15], [sflag:$0x3] =	stream.linear.gather [spmem:s7], $0x1000, $0x38;
	[tilespmem:$0x1AF00] =	vst v63  }
0x101: {  	_ =	swait.ge [sflag:s13], $0x1000  }
0x102: {  	[sflag:s13] =	ssyncset.done $0x0  }
0x103: {  	s20 =	simm.s32 $0x14020;
	[sflag:s13] =	ssyncadd.s32 $0xFFFFF000  }
0x104: {  	v1 =	vld [tilespmem:s20+$0x0]  }
0x105: {  	v2 =	vld [tilespmem:s20+$0xFFFFFFE0]  }
0x106: {  	v3 =	vld [tilespmem:s20+$0xFFFFFFF0];
	_ =	sdelay $0x2  }
0x107: {  	v4 =	vand.u32 $0xFFFF, v1  }
0x108: {  	v5 =	vand.u32 $0xFFFF, v2  }
0x109: {  	v6 =	vand.u32 $0xFFFF, v3;
	v7 =	vshrl.u32 v3, $0x10;
	v8 =	vshrl.u32 v2, $0x10  }
0x10a: {  	v13 =	vshrl.u32 v1, $0x10;
	v1 =	vand.u32 $0x7F, v1;
	v2 =	vand.u32 $0x7F, v2  }
0x10b: {  	v3 =	vand.u32 $0x7F, v3;
	v9 =	vadd.s32 $0x2800, v6;
	v10 =	vadd.s32 $0x2800, v5  }
0x10c: {  	v11 =	vadd.s32 $0x2800, v4;
	v14 =	vadd.s32 $0x2800, v8;
	v16 =	vadd.s32 $0x2800, v7;
	v12 =	vld.idx.msk [tilespmem:v4+s3+$0x0], $0xffff  }
0x10d: {  	v18 =	vadd.s32 $0x2800, v13;
	v19 =	vadd.s32 $0x5000, v4;
	v11 =	vand.u32 $0x1FF80, v11;
	v15 =	vld.idx.msk [tilespmem:v5+s3+$0x0], $0xffff  }
0x10e: {  	v20 =	vand.u32 $0x7F, v8;
	v21 =	vadd.s32 $0x5000, v5;
	v11 =	vor.u32 v1, v11  }
0x10f: {  	s31 =	simm.s32 $0x14050;
	v22 =	vadd.s32 $0x5000, v6;
	v23 =	vadd.s32 $0x5000, v7;
	v9 =	vand.u32 $0x1FF80, v9;
	v17 =	vld.idx.msk [tilespmem:v6+s3+$0x0], $0xffff  }
0x110: {  	v24 =	vld [tilespmem:s31+$0xFFFFFFF0];
	v10 =	vand.u32 $0x1FF80, v10;
	v14 =	vand.u32 $0x1FF80, v14;
	v16 =	vand.u32 $0x1FF80, v16  }
0x111: {  	v18 =	vand.u32 $0x1FF80, v18;
	v19 =	vand.u32 $0x1FF80, v19;
	v10 =	vor.u32 v2, v10;
	[tilespmem:v13+s17+$0x0] =	vst.idx.add.f32.msk $0xffff, v12  }
0x112: {  	v9 =	vor.u32 v3, v9;
	v4 =	vadd.s32 $0x7800, v4;
	v12 =	vand.u32 $0x7F, v13;
	[tilespmem:v8+s17+$0x0] =	vst.idx.add.f32.msk $0xffff, v15  }
0x113: {  	v21 =	vand.u32 $0x1FF80, v21;
	v4 =	vand.u32 $0x1FF80, v4;
	v11 =	vld.idx.msk [tilespmem:v11+s3+$0x0], $0xffff;
	v18 =	vor.u32 v12, v18  }
0x114: {  	v23 =	vand.u32 $0x1FF80, v23;
	v4 =	vor.u32 v1, v4;
	v15 =	vor.u32 v1, v19;
	[tilespmem:v7+s17+$0x0] =	vst.idx.add.f32.msk $0xffff, v17  }
0x115: {  	v17 =	vand.u32 $0x1FF80, v22;
	v22 =	vadd.s32 $0x5000, v8;
	v1 =	vadd.s32 $0x7800, v8;
	v8 =	vld [tilespmem:s31+$0xFFFFFFE0]  }
0x116: {  	v14 =	vor.u32 v20, v14;
	v5 =	vadd.s32 $0x7800, v5;
	v6 =	vadd.s32 $0x7800, v6;
	v10 =	vld.idx.msk [tilespmem:v10+s3+$0x0], $0xffff  }
0x117: {  	v21 =	vor.u32 v2, v21;
	v5 =	vand.u32 $0x1FF80, v5;
	v6 =	vand.u32 $0x1FF80, v6;
	v9 =	vld.idx.msk [tilespmem:v9+s3+$0x0], $0xffff  }
0x118: {  	v25 =	vor.u32 v2, v5;
	v19 =	vand.u32 $0x7F, v7;
	[tilespmem:v18+s17+$0x0] =	vst.idx.add.f32.msk $0xffff, v11;
	v11 =	vadd.s32 $0x5000, v13  }
0x119: {  	v2 =	vadd.s32 $0x7800, v7;
	v16 =	vor.u32 v19, v16;
	v18 =	vld [tilespmem:s31+$0x0];
	v11 =	vand.u32 $0x1FF80, v11  }
0x11a: {  	v2 =	vand.u32 $0x1FF80, v2;
	v17 =	vor.u32 v3, v17;
	v15 =	vld.idx.msk [tilespmem:v15+s3+$0x0], $0xffff;
	v11 =	vor.u32 v12, v11  }
0x11b: {  	v22 =	vand.u32 $0x1FF80, v22;
	v23 =	vor.u32 v19, v23;
	v1 =	vand.u32 $0x1FF80, v1  }
0x11c: {  	v3 =	vor.u32 v3, v6;
	v26 =	vor.u32 v20, v1;
	v1 =	vadd.s32 $0x7800, v13;
	[tilespmem:v14+s17+$0x0] =	vst.idx.add.f32.msk $0xffff, v10  }
0x11d: {  	v22 =	vor.u32 v20, v22;
	v20 =	vand.u32 $0x7F, v24;
	v5 =	vand.u32 $0x1FF80, v1;
	v7 =	vld.idx.msk [tilespmem:v21+s3+$0x0], $0xffff  }
0x11e: {  	v1 =	vor.u32 v19, v2;
	v19 =	vshrl.u32 v24, $0x10;
	[tilespmem:v16+s17+$0x0] =	vst.idx.add.f32.msk $0xffff, v9;
	v10 =	vand.u32 $0xFFFF, v8  }
0x11f: {  	v5 =	vor.u32 v12, v5;
	v28 =	vand.u32 $0x7F, v19;
	[tilespmem:v11+s17+$0x0] =	vst.idx.add.f32.msk $0xffff, v15;
	v15 =	vand.u32 $0xFFFF, v18  }
0x120: {  	v29 =	vadd.s32 $0x5000, v19;
	v14 =	vand.u32 $0x7F, v8;
	v9 =	vadd.s32 $0x2800, v10;
	v2 =	vld.idx.msk [tilespmem:v4+s3+$0x0], $0xffff  }
0x121: {  	v27 =	vadd.s32 $0x5000, v10;
	v9 =	vand.u32 $0x1FF80, v9;
	v11 =	vshrl.u32 v8, $0x10;
	v8 =	vld.idx.msk [tilespmem:v17+s3+$0x0], $0xffff  }
0x122: {  	v61 =	vand.u32 $0x1FF80, v29;
	v27 =	vand.u32 $0x1FF80, v27;
	v16 =	vor.u32 v14, v9;
	[tilespmem:v22+s17+$0x0] =	vst.idx.add.f32.msk $0xffff, v7  }
0x123: {  	v17 =	vld.idx.msk [tilespmem:v10+s3+$0x0], $0xffff;
	v10 =	vadd.s32 $0x7800, v10;
	v4 =	vand.u32 $0xFFFF, v24;
	v12 =	vadd.s32 $0x2800, v11  }
0x124: {  	v6 =	vadd.s32 $0x2800, v4;
	v9 =	vand.u32 $0x1FF80, v12;
	v12 =	vadd.s32 $0x2800, v15;
	v13 =	vld.idx.msk [tilespmem:v15+s3+$0x0], $0xffff  }
0x125: {  	v12 =	vand.u32 $0x1FF80, v12;
	[tilespmem:v5+s17+$0x0] =	vst.idx.add.f32.msk $0xffff, v2;
	v2 =	vshrl.u32 v18, $0x10;
	v5 =	vand.u32 $0x7F, v18  }
0x126: {  	v60 =	vadd.s32 $0x5000, v15;
	v6 =	vand.u32 $0x1FF80, v6;
	[tilespmem:v23+s17+$0x0] =	vst.idx.add.f32.msk $0xffff, v8;
	v12 =	vor.u32 v5, v12  }
0x127: {  	v63 =	vadd.s32 $0x7800, v11;
	v21 =	vor.u32 v20, v6;
	v6 =	vadd.s32 $0x2800, v19;
	v23 =	vld.idx.msk [tilespmem:v25+s3+$0x0], $0xffff  }
0x128: {  	v22 =	vadd.s32 $0x5000, v4;
	v6 =	vand.u32 $0x1FF80, v6;
	v8 =	vor.u32 v14, v27;
	[tilespmem:v11+s17+$0x0] =	vst.idx.add.f32.msk $0xffff, v17  }
0x129: {  	v18 =	vand.u32 $0x7F, v11;
	v57 =	vld.idx.msk [tilespmem:v4+s3+$0x0], $0xffff;
	v7 =	vor.u32 v28, v6;
	v6 =	vand.u32 $0x1FF80, v22  }
0x12a: {  	v22 =	vadd.s32 $0x5000, v11;
	v4 =	vadd.s32 $0x7800, v4;
	v58 =	vadd.s32 $0x2800, v2;
	[tilespmem:v2+s17+$0x0] =	vst.idx.add.f32.msk $0xffff, v13  }
0x12b: {  	v6 =	vor.u32 v20, v6;
	v13 =	vand.u32 $0x7F, v2;
	v59 =	vld.idx.msk [tilespmem:v12+s3+$0x0], $0xffff;
	v12 =	vand.u32 $0x1FF80, v58  }
0x12c: {  	v17 =	vld.idx.msk [tilespmem:v16+s3+$0x0], $0xffff;
	v4 =	vand.u32 $0x1FF80, v4;
	v30 =	vor.u32 v13, v12;
	v12 =	vand.u32 $0x1FF80, v60  }
0x12d: {  	v4 =	vor.u32 v20, v4;
	v20 =	vadd.s32 $0x5000, v2;
	[tilespmem:v26+s17+$0x0] =	vst.idx.add.f32.msk $0xffff, v23;
	v62 =	vor.u32 v5, v12  }
0x12e: {  	v9 =	vor.u32 v18, v9;
	v22 =	vand.u32 $0x1FF80, v22;
	v20 =	vand.u32 $0x1FF80, v20;
	[tilespmem:v19+s17+$0x0] =	vst.idx.add.f32.msk $0xffff, v57  }
0x12f: {  	v19 =	vadd.s32 $0x7800, v19;
	v16 =	vld.idx.msk [tilespmem:v21+s3+$0x0], $0xffff;
	v12 =	vor.u32 v18, v22;
	v22 =	vand.u32 $0x1FF80, v10  }
0x130: {  	v21 =	vand.u32 $0x1FF80, v63;
	v19 =	vand.u32 $0x1FF80, v19;
	v11 =	vor.u32 v14, v22;
	v14 =	vld.idx.msk [tilespmem:v3+s3+$0x0], $0xffff  }
0x131: {  	v10 =	vor.u32 v28, v61;
	v3 =	vor.u32 v18, v21;
	v21 =	vadd.s32 $0x7800, v15;
	[tilespmem:v30+s17+$0x0] =	vst.idx.add.f32.msk $0xffff, v59  }
0x132: {  	s21 =	simm.s32 $0x14080;
	s20 =	simm.s32 $0x3;
	v15 =	vor.u32 v28, v19;
	v19 =	vor.u32 v13, v20;
	v20 =	vand.u32 $0x1FF80, v21;
	v18 =	vld.idx.msk [tilespmem:v62+s3+$0x0], $0xffff  }
.LBB2_10:
0x133: {  	v21 =	vld [tilespmem:s21+$0x0];
	v5 =	vor.u32 v5, v20  }
0x134: {  	s20 =	sadd.s32 $0x3, s20;
	v20 =	vld [tilespmem:s21+$0xFFFFFFF0]  }
0x135: {  	p0 =	slt.u32 s20, $0xFC;
	v22 =	vld [tilespmem:s21+$0xFFFFFFE0]  }
0x136: {  	[tilespmem:v9+s17+$0x0] =	vst.idx.add.f32.msk $0xffff, v17  }
0x137: {  	v2 =	vadd.s32 $0x7800, v2;
	[tilespmem:v19+s17+$0x0] =	vst.idx.add.f32.msk $0xffff, v18  }
0x138: {  	v2 =	vand.u32 $0x1FF80, v2;
	v19 =	vand.u32 $0xFFFF, v21;
	v5 =	vld.idx.msk [tilespmem:v5+s3+$0x0], $0xffff  }
0x139: {  	v2 =	vor.u32 v13, v2;
	v17 =	vand.u32 $0xFFFF, v20;
	v18 =	vshrl.u32 v20, $0x10;
	[tilespmem:v7+s17+$0x0] =	vst.idx.add.f32.msk $0xffff, v16  }
0x13a: {  	v16 =	vand.u32 $0xFFFF, v22;
	v23 =	vshrl.u32 v22, $0x10;
	v7 =	vadd.s32 $0x2800, v17;
	v8 =	vld.idx.msk [tilespmem:v8+s3+$0x0], $0xffff  }
0x13b: {  	v22 =	vand.u32 $0x7F, v22;
	v9 =	vadd.s32 $0x2800, v16;
	v7 =	vand.u32 $0x1FF80, v7;
	v6 =	vld.idx.msk [tilespmem:v6+s3+$0x0], $0xffff  }
0x13c: {  	v20 =	vand.u32 $0x7F, v20;
	v13 =	vadd.s32 $0x2800, v23;
	v9 =	vand.u32 $0x1FF80, v9;
	[tilespmem:v1+s17+$0x0] =	vst.idx.add.f32.msk $0xffff, v14;
	v1 =	vmovc v15  }
0x13d: {  	v15 =	vor.u32 v20, v7;
	v7 =	vadd.s32 $0x2800, v18;
	v14 =	vor.u32 v22, v9;
	v24 =	vld.idx.msk [tilespmem:v19+s3+$0x0], $0xffff  }
0x13e: {  	v9 =	vand.u32 $0x1FF80, v13;
	v7 =	vand.u32 $0x1FF80, v7;
	v13 =	vadd.s32 $0x2800, v19;
	[tilespmem:v2+s17+$0x0] =	vst.idx.add.f32.msk $0xffff, v5  }
0x13f: {  	v2 =	vshrl.u32 v21, $0x10;
	v13 =	vand.u32 $0x1FF80, v13;
	v5 =	vand.u32 $0x7F, v21;
	v25 =	vld.idx.msk [tilespmem:v16+s3+$0x0], $0xffff  }
0x140: {  	v26 =	vadd.s32 $0x5000, v16;
	v21 =	vand.u32 $0x7F, v23;
	v28 =	vor.u32 v5, v13;
	v27 =	vld.idx.msk [tilespmem:v17+s3+$0x0], $0xffff  }
0x141: {  	v29 =	vand.u32 $0x7F, v18;
	v9 =	vor.u32 v21, v9;
	v13 =	vadd.s32 $0x5000, v17;
	[tilespmem:v12+s17+$0x0] =	vst.idx.add.f32.msk $0xffff, v8  }
0x142: {  	v7 =	vor.u32 v29, v7;
	v8 =	vand.u32 $0x1FF80, v26;
	v12 =	vand.u32 $0x1FF80, v13;
	[tilespmem:v10+s17+$0x0] =	vst.idx.add.f32.msk $0xffff, v6  }
0x143: {  	v8 =	vor.u32 v22, v8;
	v10 =	vadd.s32 $0x5000, v23;
	v6 =	vor.u32 v20, v12;
	v26 =	vld.idx.msk [tilespmem:v11+s3+$0x0], $0xffff  }
0x144: {  	v12 =	vadd.s32 $0x2800, v2;
	v10 =	vand.u32 $0x1FF80, v10;
	v11 =	vadd.s32 $0x5000, v18;
	[tilespmem:v2+s17+$0x0] =	vst.idx.add.f32.msk $0xffff, v24  }
0x145: {  	v13 =	vand.u32 $0x7F, v2;
	v12 =	vand.u32 $0x1FF80, v12;
	v24 =	vld.idx.msk [tilespmem:v28+s3+$0x0], $0xffff;
	v28 =	vadd.s32 $0x5000, v19  }
0x146: {  	v11 =	vand.u32 $0x1FF80, v11;
	[tilespmem:v23+s17+$0x0] =	vst.idx.add.f32.msk $0xffff, v25;
	v25 =	vor.u32 v13, v12;
	v12 =	vand.u32 $0x1FF80, v28  }
0x147: {  	v16 =	vadd.s32 $0x7800, v16;
	[tilespmem:v18+s17+$0x0] =	vst.idx.add.f32.msk $0xffff, v27;
	v27 =	vadd.s32 $0x7800, v17;
	v28 =	vor.u32 v5, v12  }
0x148: {  	v12 =	vor.u32 v21, v10;
	v10 =	vor.u32 v29, v11;
	v17 =	vld.idx.msk [tilespmem:v14+s3+$0x0], $0xffff;
	v14 =	vand.u32 $0x1FF80, v16  }
.Ltmp4:
0x149: {  	v11 =	vor.u32 v22, v14;
	v14 =	vadd.s32 $0x7800, v23;
	v16 =	vld.idx.msk [tilespmem:v15+s3+$0x0], $0xffff;
	v15 =	vand.u32 $0x1FF80, v27;
	(pc) =	sbr.rel @p0 .LBB2_10-.Ltmp4, $4  }
0x14a: {  	v18 =	vadd.s32 $0x7800, v18;
	v22 =	vand.u32 $0x1FF80, v14;
	v14 =	vld.idx.msk [tilespmem:v4+s3+$0x0], $0xffff;
	v4 =	vor.u32 v20, v15  }
0x14b: {  	v15 =	vand.u32 $0x1FF80, v18;
	v20 =	vadd.s32 $0x5000, v2;
	v21 =	vor.u32 v21, v22;
	[tilespmem:v25+s17+$0x0] =	vst.idx.add.f32.msk $0xffff, v24  }
0x14c: {  	v15 =	vor.u32 v29, v15;
	v20 =	vand.u32 $0x1FF80, v20;
	v22 =	vadd.s32 $0x7800, v19;
	v18 =	vld.idx.msk [tilespmem:v28+s3+$0x0], $0xffff  }
0x14d: {  	s21 =	sadd.s32 $0x30, s21;
	v19 =	vor.u32 v13, v20;
	v20 =	vand.u32 $0x1FF80, v22;
	[tilespmem:v3+s17+$0x0] =	vst.idx.add.f32.msk $0xffff, v26;
	v3 =	vmov v21  }
0x14e: {  	_ =	sdelay $0x3  }
0x14f: {  	[tilespmem:v9+s17+$0x0] =	vst.idx.add.f32.msk $0xffff, v17  }
0x150: {  	v5 =	vor.u32 v5, v20;
	[tilespmem:v7+s17+$0x0] =	vst.idx.add.f32.msk $0xffff, v16  }
0x151: {  	v56 =	vld.idx.msk [tilespmem:v8+s3+$0x0], $0xffff  }
0x152: {  	v6 =	vld.idx.msk [tilespmem:v6+s3+$0x0], $0xffff;
	_ =	sdelay $0x1  }
0x153: {  	[tilespmem:v19+s17+$0x0] =	vst.idx.add.f32.msk $0xffff, v18  }
0x154: {  	v2 =	vadd.s32 $0x7800, v2;
	v5 =	vld.idx.msk [tilespmem:v5+s3+$0x0], $0xffff  }
0x155: {  	v2 =	vand.u32 $0x1FF80, v2;
	[tilespmem:v12+s17+$0x0] =	vst.idx.add.f32.msk $0xffff, v56  }
0x156: {  	v2 =	vor.u32 v13, v2;
	[tilespmem:v10+s17+$0x0] =	vst.idx.add.f32.msk $0xffff, v6  }
0x157: {  	v57 =	vld.idx.msk [tilespmem:v11+s3+$0x0], $0xffff  }
0x158: {  	v4 =	vld.idx.msk [tilespmem:v4+s3+$0x0], $0xffff;
	_ =	sdelay $0x1  }
0x159: {  	[tilespmem:v1+s17+$0x0] =	vst.idx.add.f32.msk $0xffff, v14  }
0x15a: {  	[tilespmem:v2+s17+$0x0] =	vst.idx.add.f32.msk $0xffff, v5  }
0x15b: {  	[tilespmem:v3+s17+$0x0] =	vst.idx.add.f32.msk $0xffff, v57  }
0x15c: {  	[tilespmem:v15+s17+$0x0] =	vst.idx.add.f32.msk $0xffff, v4  }
0x15d: {  	v1 =	vld [tilespmem:$0x14FF0];
	_ =	sdelay $0x4  }
0x15e: {  	v2 =	vand.u32 $0xFFFF, v1;
	_ =	sdelay $0x3  }
0x15f: {  	v3 =	vadd.s32 $0x2800, v2  }
0x160: {  	v58 =	vshrl.u32 v1, $0x10;
	v1 =	vand.u32 $0x7F, v1;
	v3 =	vand.u32 $0x1FF80, v3;
	v5 =	vld.idx.msk [tilespmem:v2+s3+$0x0], $0xffff  }
0x161: {  	v3 =	vor.u32 v1, v3;
	_ =	sdelay $0x2  }
0x162: {  	v59 =	vadd.s32 $0x2800, v58  }
0x163: {  	v60 =	vand.u32 $0x7F, v58;
	v62 =	vadd.s32 $0x5000, v2;
	v61 =	vand.u32 $0x1FF80, v59;
	[tilespmem:v58+s17+$0x0] =	vst.idx.add.f32.msk $0xffff, v5  }
0x164: {  	v6 =	vand.u32 $0x1FF80, v62;
	v5 =	vor.u32 v60, v61;
	v3 =	vld.idx.msk [tilespmem:v3+s3+$0x0], $0xffff  }
0x165: {  	v6 =	vor.u32 v1, v6;
	_ =	sdelay $0x2  }
0x166: {  	v63 =	vadd.s32 $0x5000, v58  }
0x167: {  	v2 =	vadd.s32 $0x7800, v2;
	[tilespmem:v5+s17+$0x0] =	vst.idx.add.f32.msk $0xffff, v3;
	v3 =	vand.u32 $0x1FF80, v63  }
0x168: {  	v2 =	vand.u32 $0x1FF80, v2;
	v5 =	vld.idx.msk [tilespmem:v6+s3+$0x0], $0xffff;
	v3 =	vor.u32 v60, v3  }
0x169: {  	v1 =	vor.u32 v1, v2;
	_ =	sdelay $0x2  }
0x16a: {  	v2 =	vadd.s32 $0x7800, v58  }
0x16b: {  	v2 =	vand.u32 $0x1FF80, v2;
	[tilespmem:v3+s17+$0x0] =	vst.idx.add.f32.msk $0xffff, v5  }
0x16c: {  	v2 =	vor.u32 v60, v2;
	v1 =	vld.idx.msk [tilespmem:v1+s3+$0x0], $0xffff;
	_ =	sdelay $0x2  }
0x16d: {  	s19 =	sadd.s32 $0x1, s19  }
0x16e: {  	p0 =	sne.s32 s19, s9  }
.Ltmp5:
0x16f: {  	[tilespmem:v2+s17+$0x0] =	vst.idx.add.f32.msk $0xffff, v1;
	(pc) =	sbr.rel @p0 .LBB2_1-.Ltmp5, $4  }
0x170: {  	[hbm4b:s8+s10] =	stream.strided.scatter [tilespmem:s17], [sflag:$0x3], $0xA000, s11, s10, $0x38;
	[tilespmem:$0x1AF00] =	vst v63  }
0x171: {  	_ =	swait.ge [sflag:s13], $0xA000  }
0x172: {  	[sflag:s13] =	ssyncset.done $0x0  }
0x173: {  	[sflag:s13] =	ssyncadd.s32 $0xFFFF6000  }
0x174: {  	_ =	sfence.sel $0x180000  }
0x175: {  	[bflag:$0x0] =	sbarrier.arrive $0xFFFF  }
0x176: {  	p0 =	sne.s32 s0, $0x0;
	_ =	strace $0x90000047  }
0x177: {  	s0 =	sadd.s32 @!p0 $0x100000, s1;
	[bflag:$0x2] =	sbarrier.arrive $0xFFFF  }
0x178: {  	[sflag:s0] =	ssyncadd.tile.s32 @!p0 $0x1;
	_ =	shalt  }
.Lfunc_end2:
_tile_overlayer_lowered:
.L_overlay_start_2:
0x179: {  	(tag) =	ssettag $0x2  }
0x17a: {  	s0 =	rddreg [dreg:$0x0];
	s2 =	stileid.u32  }
0x17b: {  	s1 =	rddreg [dreg:$0x1];
	p0 =	sne.s32 s2, $0x0  }
0x17c: {  	s3 =	rddreg [dreg:$0x2];
	[bflag:$0x3] =	sbarrier.arrive $0xFFFF;
	s2 =	simm.s32 @!p0 $0x1C03  }
0x17d: {  	[timem:s3], [sflag:s2] =	dma.local @!p0 [hbm:s0], s1  }
0x17e: {  	s0 =	simm.s32 @!p0 $0x3  }
0x17f: {  	_ =	swait.ge @!p0 [sflag:s0], s1  }
0x180: {  	s1 =	ssub.s32 @!p0 $0x0, s1;
	[sflag:s0] =	ssyncset.done @!p0 $0x0  }
0x181: {  	[sflag:s0] =	ssyncadd.s32 @!p0 s1  }
0x182: {  	[bflag:$0x3] =	sbarrier.arrive $0xFFFF  }
0x183: {  	_ =	shalt  }

// kernel: kernel.9.cloned.1.call-start
scs
__scs_entry_jumppad:
0x0: {  	(pc) =	sbr.rel $0x88, $3  }
0x1: {  	(tag) =	ssettag $0x0;
	lr =	simm.s32 $0x1  }
0x2: {  	[smem:$0x3F97] =	sst lr;
	_ =	strace $0xD0000000  }
0x3: {  	_ = 	snop  }
0x4: {  	_ = 	snop  }
0x5: {  	_ = 	snop  }
0x6: {  	_ = 	snop  }
0x7: {  	_ = 	snop  }
__scs_overlays_trampoline_lowered:
0x8: {  	[smem:$0x3FA6] =	sst s0  }
0x9: {  	[smem:$0x3FA7] =	sst s1  }
0xa: {  	[smem:$0x3FA8] =	sst s2  }
0xb: {  	[smem:$0x3FA9] =	sst s3  }
0xc: {  	[smem:$0x3FAA] =	sst s4  }
0xd: {  	[smem:$0x3FAB] =	sst s5  }
0xe: {  	[smem:$0x3FAC] =	sst s6  }
0xf: {  	[smem:$0x3FAD] =	sst s7  }
0x10: {  	[smem:$0x3FAE] =	sst s8  }
0x11: {  	[smem:$0x3FAF] =	sst s9;
	s0 =	simm.s32 @!p0 $0x0  }
0x12: {  	s1 =	sld [smem:$0x3F95];
	s0 =	simm.s32 @p0 $0x1  }
0x13: {  	[smem:$0x3FB0] =	sst s0;
	s0 =	simm.s32 @!p1 $0x0  }
0x14: {  	s2 =	sld [smem:$0x3F94];
	s0 =	simm.s32 @p1 $0x1  }
0x15: {  	[smem:$0x3FB1] =	sst s0;
	s0 =	simm.s32 @!p2 $0x0  }
0x16: {  	s3 =	sld [smem:$0x3FDB];
	s0 =	simm.s32 @p2 $0x1  }
0x17: {  	s4 =	simm.s32 $0x1BF5;
	[smem:$0x3FB3] =	sst s0  }
0x18: {  	s0 =	sld [smem:$0x3F96];
	_ =	swait.ge [sflag:s4], $0x0  }
0x19: {  	s7 =	sld [smem:$0x3F97]  }
0x1a: {  	s8 =	sadd.s32 $0xFFFFE003, lr  }
0x1b: {  	s9 =	sadd.s32 $0xFFFFFEF7, lr;
	s5 =	simm.s32 $0xFFFFFFFF;
	p2 =	slt.u32 s8, $0xFFFFF086  }
0x1c: {  	p1 =	slt.u32 s9, $0xF7A;
	s5 =	simm.s32 @!p2 $0x0  }
0x1d: {  	s5 =	simm.s32 @p1 $0x1;
	p0 =	seq.s32 s7, s2  }
0x1e: {  	s7 =	smul.u32 @!p0 $0xF7A, s2;
	p2 =	seq.s32 @!p0 s5, $0x0  }
0x1f: {  	s9 =	smul.u32 $0xF7A, s1;
	s8 =	simm.s32 @!p0 $0x1BF5;
	p2 =	por !p2, p0  }
0x20: {  	[sflag:s8] =	ssyncset.s32 @!p0 $0xFFFFF086;
	s6 =	sadd.s32 @!p0 s3, s7;
	s7 =	simm.s32 @!p0 $0x108  }
0x21: {  	s3 =	sadd.s32 s3, s9;
	s6 =	sadd.s32 @!p0 $0x88, s6;
	s7 =	simm.s32 @p2 $0x1082  }
0x22: {  	[simem:s7], [sflag:s8] =	dma.local @!p0 [hbm:s6], $0xF7A  }
0x23: {  	s9 =	sor.u32 $0xD0000000, s2;
	s6 =	simm.s32 $0x108;
	_ =	swait.ge @!p0 [sflag:s8], $0x0  }
0x24: {  	s3 =	sadd.s32 $0x88, s3;
	s6 =	simm.s32 @!p1 $0x1082;
	[sflag:s4] =	ssyncset.s32 $0xFFFFF086  }
0x25: {  	[simem:s6], [sflag:s4] =	dma.local [hbm:s3], $0xF7A  }
0x26: {  	[smem:$0x3F97] =	sst s1;
	(tag) =	ssettag s2;
	_ =	strace s9  }
0x27: {  	s1 =	sld [smem:$0x3FA7]  }
0x28: {  	s2 =	sld [smem:$0x3FA8]  }
0x29: {  	s4 =	sld [smem:$0x3FAA]  }
0x2a: {  	p0 =	seq.s32 s5, $0x0;
	s5 =	sld [smem:$0x3FAB]  }
0x2b: {  	s6 =	sld [smem:$0x3FAC]  }
0x2c: {  	s7 =	sld [smem:$0x3FAD]  }
0x2d: {  	s3 =	simm.s32 $0x108;
	s8 =	sld [smem:$0x3FAE]  }
0x2e: {  	s3 =	simm.s32 @!p0 $0x1082;
	s9 =	sld [smem:$0x3FAF]  }
0x2f: {  	lr =	sadd.s32 s0, s3;
	s0 =	sld [smem:$0x3FA6]  }
0x30: {  	s3 =	sld [smem:$0x3FA9]  }
0x31: {  	[smem:$0x3FB2] =	sst s10  }
0x32: {  	s10 =	sld [smem:$0x3FB0];
	_ =	sdelay $0x3  }
0x33: {  	p0 =	seq.s32 s10, $0x1;
	s10 =	sld [smem:$0x3FB2];
	_ =	sdelay $0x3  }
0x34: {  	[smem:$0x3FB2] =	sst s10  }
0x35: {  	s10 =	sld [smem:$0x3FB1];
	_ =	sdelay $0x3  }
0x36: {  	p1 =	seq.s32 s10, $0x1;
	s10 =	sld [smem:$0x3FB2];
	_ =	sdelay $0x3  }
0x37: {  	[smem:$0x3FB2] =	sst s10  }
0x38: {  	s10 =	sld [smem:$0x3FB3]  }
0x39: {  	_ = 	snop;
	(pc) =	sbr.ind lr, $3  }
0x3a: {  	_ = 	snop  }
0x3b: {  	_ = 	snop  }
0x3c: {  	p2 =	seq.s32 s10, $0x1;
	s10 =	sld [smem:$0x3FB2]  }
0x3d: {  	_ =	shalt  }
0x3e: {  	_ =	shalt  }
0x3f: {  	_ =	shalt  }
0x40: {  	_ =	shalt  }
0x41: {  	_ =	shalt  }
0x42: {  	_ =	shalt  }
0x43: {  	_ =	shalt  }
0x44: {  	_ =	shalt  }
0x45: {  	_ =	shalt  }
0x46: {  	_ =	shalt  }
0x47: {  	_ =	shalt  }
0x48: {  	_ =	shalt  }
0x49: {  	_ =	shalt  }
0x4a: {  	_ =	shalt  }
0x4b: {  	_ =	shalt  }
0x4c: {  	_ =	shalt  }
0x4d: {  	_ =	shalt  }
0x4e: {  	_ =	shalt  }
0x4f: {  	_ =	shalt  }
0x50: {  	_ =	shalt  }
0x51: {  	_ =	shalt  }
0x52: {  	_ =	shalt  }
0x53: {  	_ =	shalt  }
0x54: {  	_ =	shalt  }
0x55: {  	_ =	shalt  }
0x56: {  	_ =	shalt  }
0x57: {  	_ =	shalt  }
0x58: {  	_ =	shalt  }
0x59: {  	_ =	shalt  }
0x5a: {  	_ =	shalt  }
0x5b: {  	_ =	shalt  }
0x5c: {  	_ =	shalt  }
0x5d: {  	_ =	shalt  }
0x5e: {  	_ =	shalt  }
0x5f: {  	_ =	shalt  }
0x60: {  	_ =	shalt  }
0x61: {  	_ =	shalt  }
0x62: {  	_ =	shalt  }
0x63: {  	_ =	shalt  }
0x64: {  	_ =	shalt  }
0x65: {  	_ =	shalt  }
0x66: {  	_ =	shalt  }
0x67: {  	_ =	shalt  }
0x68: {  	_ =	shalt  }
0x69: {  	_ =	shalt  }
0x6a: {  	_ =	shalt  }
0x6b: {  	_ =	shalt  }
0x6c: {  	_ =	shalt  }
0x6d: {  	_ =	shalt  }
0x6e: {  	_ =	shalt  }
0x6f: {  	_ =	shalt  }
0x70: {  	_ =	shalt  }
0x71: {  	_ =	shalt  }
0x72: {  	_ =	shalt  }
0x73: {  	_ =	shalt  }
0x74: {  	_ =	shalt  }
0x75: {  	_ =	shalt  }
0x76: {  	_ =	shalt  }
0x77: {  	_ =	shalt  }
0x78: {  	_ =	shalt  }
0x79: {  	_ =	shalt  }
0x7a: {  	_ =	shalt  }
0x7b: {  	_ =	shalt  }
0x7c: {  	_ =	shalt  }
0x7d: {  	_ =	shalt  }
0x7e: {  	_ =	shalt  }
0x7f: {  	_ =	shalt  }
0x80: {  	_ =	shalt  }
0x81: {  	_ =	shalt  }
0x82: {  	_ =	shalt  }
0x83: {  	_ =	shalt  }
0x84: {  	_ =	shalt  }
0x85: {  	_ =	shalt  }
0x86: {  	_ =	shalt  }
0x87: {  	_ =	shalt  }
.Lfunc_end0:
.L_simem_size_0:
called_computation.1_lowered:
.L_overlay_start_0:
0x88: {  	s2 =	sld [smem:$0x3FD9]  }
0x89: {  	s3 =	sld [smem:$0x3FFE];
	_ =	sdelay $0x1  }
0x8a: {  	s1 =	srdreg.scid  }
0x8b: {  	s0 =	sand.u32 $0x1, s1  }
0x8c: {  	s17 =	sshll.u32 s0, $0xA;
	s2 =	sadd.s32 s3, s2  }
0x8d: {  	s2 =	sadd.s32 s2, s17  }
0x8e: {  	[smem:$0x3FBE] =	sst s2  }
0x8f: {  	_ = 	snop  }
0x90: {  	s2 =	sld [smem:$0x3FD0];
	(tm) =	ssettm $0x1  }
0x91: {  	s18 =	sld [smem:$0x3FFB];
	_ =	sdelay $0x3  }
0x92: {  	_ =	strace s18  }
0x93: {  	s3 =	sld [smem:$0x3FFC];
	_ =	sdelay $0x3  }
0x94: {  	_ =	strace s3  }
0x95: {  	s3 =	sld [smem:$0x3FFD];
	_ =	sdelay $0x3  }
0x96: {  	_ =	strace s3  }
0x97: {  	_ =	strace $0x8FFFFFFF  }
0x98: {  	s19 =	sld [smem:$0x3FDB];
	_ =	sdelay $0x1  }
0x99: {  	s4 =	simm.s32 $_scs_section_size  }
0x9a: {  	s5 =	simm.s32 $_size__tile_overlayer_lowered;
	s6 =	simm.s32 $_tile_overlayer_lowered  }
0x9b: {  	s22 =	simm.s32 $0x1BFF;
	s21 =	sshll.u32 s6, $0x1;
	s3 =	sadd.s32 s4, s19  }
0x9c: {  	s7 =	simm.s32 $0x0;
	s20 =	sshll.u32 s5, $0x1;
	s5 =	sadd.s32 s21, s3  }
0x9d: {  	[timem:s7], [sflag:s22] =	dma.local [hbm:s5], s20  }
0x9e: {  	_ =	swait.ge [sflag:s22], s20  }
0x9f: {  	s4 =	ssub.s32 $0x0, s20;
	[sflag:s22] =	ssyncset.done $0x0  }
0xa0: {  	[sflag:s22] =	ssyncadd.s32 s4;
	_ =	sdelay $0x1  }
0xa1: {  	s23 =	simm.s32 $0x1B8B  }
0xa2: {  	_ =	swait.ge [sflag:s23], $0x1  }
0xa3: {  	[sflag:s23] =	ssyncset.done $0x0  }
0xa4: {  	s25 =	simm.s32 $0x1B8E;
	s24 =	sld [smem:$0x3FFE];
	[sflag:s23] =	ssyncadd.s32 $0xFFFFFFFF  }
0xa5: {  	s26 =	simm.s32 $execute0_lowered;
	[smem:$0x3FD2] =	sst s25  }
0xa6: {  	s5 =	sshll.u32 s26, $0x1;
	_ =	strace $0x80000049;
	[dreg:$0x1] =	wrdreg $0xFFFFFFFF  }
0xa7: {  	s28 =	simm.s32 $_size_execute0_lowered;
	s3 =	sadd.s32 s3, s5;
	[dreg:$0x0] =	wrdreg $0x0  }
0xa8: {  	s5 =	sshll.u32 s28, $0x1;
	[dreg:$0x2] =	wrdreg s3  }
0xa9: {  	[dreg:$0x3] =	wrdreg s5  }
0xaa: {  	[dreg:$0x4] =	wrdreg $0xC0  }
0xab: {  	_ =	task [dreg:s7], $0x5FFFF  }
0xac: {  	[dreg:$0x1] =	wrdreg $0xFFFFFFFF  }
0xad: {  	[dreg:$0x0] =	wrdreg $0x60  }
0xae: {  	[dreg:$0x2] =	wrdreg s24  }
0xaf: {  	[dreg:$0x3] =	wrdreg s2  }
0xb0: {  	[dreg:$0x4] =	wrdreg $0x160000  }
0xb1: {  	[dreg:$0x5] =	wrdreg $0x9  }
0xb2: {  	_ =	task.clear_ibuf [dreg:s7], $0x6FFFF;
	_ =	strace $0x90000049  }
0xb3: {  	s29 =	simm.s32 $0x9;
	_ =	strace $0x8000004B  }
0xb4: {  	_ =	swait.ge [sflag:s29], $0x1  }
0xb5: {  	[sflag:s29] =	ssyncadd.s32 $0xFFFFFFFF  }
0xb6: {  	_ =	strace $0x9000004B  }
0xb7: {  	_ =	sfence  }
0xb8: {  	s30 =	sld [smem:$0x0];
	_ =	sdelay $0x2  }
0xb9: {  	s31 =	sshll.u32 s1, $0xD;
	s1 =	sshrl.u32 s1, $0x2  }
0xba: {  	s3 =	sand.u32 $0x4000, s31;
	s1 =	sadd.s32 s1, s30  }
0xbb: {  	s0 =	sor.u32 s3, s0;
	s1 =	sshll.u32 s1, $0x11  }
0xbc: {  	s0 =	sor.u32 s1, s0  }
0xbd: {  	s0 =	sadd.s32 $0x8F2B, s0  }
0xbe: {  	[sflag:s0] =	ssyncadd.remote.s32 $0x1  }
0xbf: {  	_ =	sfence.sel $0xFFFF  }
0xc0: {  	[dreg:$0x0] =	wrdreg $0xFFFFFFFF;
	(pc) =	sbr.abs _section_cstart, $3  }
0xc1: {  	[dreg:$0x1] =	wrdreg $0xFFFFFFFF  }
0xc2: {  	_ =	task.clear_ibuf [dreg:s7], $0x2FFFF;
	_ =	strace $0x9FFFFFFF  }
0xc3: {  	(tm) =	ssettm $0x7FFFFFFF  }
tec
execute0_lowered:
.L_overlay_start_1:
0x0: {  	(tag) =	ssettag $0x1  }
0x1: {  	s5 =	rddreg [dreg:$0x0]  }
0x2: {  	s0 =	srdreg.scid;
	s6 =	rddreg [dreg:$0x1]  }
0x3: {  	s2 =	rddreg [dreg:$0x2];
	s3 =	simm.s32 $0x0;
	s10 =	simm.s32 $0x80  }
0x4: {  	s11 =	simm.s32 $0x400;
	s13 =	simm.s32 $0x3;
	s14 =	simm.s32 $0x1  }
0x5: {  	s15 =	simm.s32 $0x14000;
	s16 =	simm.s32 $0x15000;
	s17 =	simm.s32 $0xA000  }
0x6: {  	s18 =	simm.s32 $0x2;
	s19 =	simm.s32 $0x0;
	s4 =	sand.u32 $0x1, s0  }
0x7: {  	s0 =	stileid.u32;
	[smem:$0x7FF] =	sst s3;
	s1 =	sshll.u32 s4, $0x4  }
0x8: {  	s25 =	sshll.u32 s0, $0x7;
	s4 =	ssub.s32 $0x2, s4;
	s1 =	sor.u32 s0, s1  }
0x9: {  	s29 =	smul.u32 $0x4F00, s0;
	s31 =	sshll.u32 s0, $0x6;
	s1 =	sshrl.u32 s1, $0x3  }
0xa: {  	s8 =	sand.u32 $0x380, s25;
	s28 =	sshrl.u32 s4, $0x1;
	s7 =	smul.u32 $0x50000, s1  }
0xb: {  	s9 =	ssub.s32 s4, s28;
	s12 =	sadd.s32 s29, s2;
	s30 =	sshrl.u32 s29, $0x3  }
0xc: {  	s1 =	rddreg [dreg:$0x3];
	_ =	strace $0x8000004A;
	s7 =	sor.u32 s8, s7  }
0xd: {  	s9 =	smax.u32 s9, $0x1;
	s12 =	sshrl.u32 s12, $0x3;
	s7 =	sshrl.u32 s7, $0x3  }
0xe: {  	s26 =	sadd.s32 s7, s5;
	s5 =	sadd.s32 s6, s30;
	s6 =	sor.u32 $0x1C03, s31  }
0xf: {  	v0 =	vimm.f32 $0.0e+00;
	s7 =	sadd.s32 $0x4E000, s2;
	s4 =	sadd.s32 $0x1200, s26;
	s8 =	sadd.s32 $0x29200, s26  }
.LBB2_1:
0x10: {  	[tilespmem:s3], [sflag:$0x1] =	stream.strided.gather [hbm4b:s4+s10], $0xA000, s11, s10, $0x38;
	[tilespmem:$0x1AF00] =	vst v63  }
0x11: {  	[spmem:s12], [sflag:s6] =	dma.local [hbm:s5], $0x9E0  }
0x12: {  	_ =	swait.ge [sflag:s13], $0x9E0  }
0x13: {  	[sflag:s13] =	ssyncset.done $0x0  }
0x14: {  	s20 =	simm.s32 $0x40;
	s21 =	simm.s32 $0x0;
	[sflag:s13] =	ssyncadd.s32 $0xFFFFF620  }
.LBB2_2:
0x15: {  	p0 =	sne.s32 s20, $0x27FC0;
	[tilespmem:s21+$0xA000] =	vst v0;
	s21 =	smov.u32 s20;
	s20 =	sadd.s32 $0x40, s20  }
.Ltmp0:
0x16: {  	(pc) =	sbr.rel @p0 .LBB2_2-.Ltmp0, $2  }
0x17: {  	_ =	sdelay $0x2  }
0x18: {  	s21 =	sshra.s32 s21, $0x2  }
0x19: {  	[tilespmem:s21+$0xA000] =	vst v0  }
0x1a: {  	_ =	swait.ge [sflag:s14], $0xA000  }
0x1b: {  	[sflag:s14] =	ssyncset.done $0x0  }
0x1c: {  	[sflag:s14] =	ssyncadd.s32 $0xFFFF6000  }
0x1d: {  	s20 =	simm.s32 $0x0;
	[bflag:$0x0] =	sbarrier.arrive $0xFFFF  }
.LBB2_4:
0x1e: {  	s21 =	sshll.u32 s20, $0xD  }
0x1f: {  	s21 =	sand.u32 $0x3FFFE000, s21  }
0x20: {  	s21 =	sadd.s32 s21, s2  }
0x21: {  	[tilespmem:s15], [sflag:$0x1] =	stream.linear.gather [spmem:s21], $0x1000, $0x38;
	[tilespmem:$0x1AF00] =	vst v63  }
0x22: {  	s21 =	sadd.s32 $0x1000, s21  }
0x23: {  	[tilespmem:s16], [sflag:$0x2] =	stream.linear.gather [spmem:s21], $0x1000, $0x38;
	[tilespmem:$0x1AF00] =	vst v63  }
0x24: {  	_ =	swait.ge [sflag:s14], $0x1000  }
0x25: {  	[sflag:s14] =	ssyncset.done $0x0  }
0x26: {  	s30 =	simm.s32 $0x14020;
	[sflag:s14] =	ssyncadd.s32 $0xFFFFF000  }
0x27: {  	v1 =	vld [tilespmem:s30+$0x0]  }
0x28: {  	v2 =	vld [tilespmem:s30+$0xFFFFFFE0]  }
0x29: {  	v3 =	vld [tilespmem:s30+$0xFFFFFFF0];
	_ =	sdelay $0x2  }
0x2a: {  	v4 =	vand.u32 $0xFFFF, v1  }
0x2b: {  	v5 =	vand.u32 $0xFFFF, v2  }
0x2c: {  	v6 =	vand.u32 $0xFFFF, v3;
	v7 =	vshrl.u32 v3, $0x10;
	v8 =	vshrl.u32 v2, $0x10  }
0x2d: {  	v13 =	vshrl.u32 v1, $0x10;
	v1 =	vand.u32 $0x7F, v1;
	v2 =	vand.u32 $0x7F, v2  }
0x2e: {  	v3 =	vand.u32 $0x7F, v3;
	v9 =	vadd.s32 $0x2800, v6;
	v10 =	vadd.s32 $0x2800, v5  }
0x2f: {  	v11 =	vadd.s32 $0x2800, v4;
	v14 =	vadd.s32 $0x2800, v8;
	v16 =	vadd.s32 $0x2800, v7;
	v12 =	vld.idx.msk [tilespmem:v4+s3+$0x0], $0xffff  }
0x30: {  	v18 =	vadd.s32 $0x2800, v13;
	v19 =	vadd.s32 $0x5000, v4;
	v11 =	vand.u32 $0x1FF80, v11;
	v15 =	vld.idx.msk [tilespmem:v5+s3+$0x0], $0xffff  }
0x31: {  	v20 =	vand.u32 $0x7F, v8;
	v21 =	vadd.s32 $0x5000, v5;
	v11 =	vor.u32 v1, v11  }
0x32: {  	s31 =	simm.s32 $0x14050;
	v22 =	vadd.s32 $0x5000, v6;
	v23 =	vadd.s32 $0x5000, v7;
	v9 =	vand.u32 $0x1FF80, v9;
	v17 =	vld.idx.msk [tilespmem:v6+s3+$0x0], $0xffff  }
0x33: {  	v24 =	vld [tilespmem:s31+$0xFFFFFFF0];
	v10 =	vand.u32 $0x1FF80, v10;
	v14 =	vand.u32 $0x1FF80, v14;
	v16 =	vand.u32 $0x1FF80, v16  }
0x34: {  	v18 =	vand.u32 $0x1FF80, v18;
	v19 =	vand.u32 $0x1FF80, v19;
	v10 =	vor.u32 v2, v10;
	[tilespmem:v13+s17+$0x0] =	vst.idx.add.f32.msk $0xffff, v12  }
0x35: {  	v9 =	vor.u32 v3, v9;
	v4 =	vadd.s32 $0x7800, v4;
	v12 =	vand.u32 $0x7F, v13;
	[tilespmem:v8+s17+$0x0] =	vst.idx.add.f32.msk $0xffff, v15  }
0x36: {  	v21 =	vand.u32 $0x1FF80, v21;
	v4 =	vand.u32 $0x1FF80, v4;
	v11 =	vld.idx.msk [tilespmem:v11+s3+$0x0], $0xffff;
	v18 =	vor.u32 v12, v18  }
0x37: {  	v23 =	vand.u32 $0x1FF80, v23;
	v4 =	vor.u32 v1, v4;
	v15 =	vor.u32 v1, v19;
	[tilespmem:v7+s17+$0x0] =	vst.idx.add.f32.msk $0xffff, v17  }
0x38: {  	v17 =	vand.u32 $0x1FF80, v22;
	v22 =	vadd.s32 $0x5000, v8;
	v1 =	vadd.s32 $0x7800, v8;
	v8 =	vld [tilespmem:s31+$0xFFFFFFE0]  }
0x39: {  	v14 =	vor.u32 v20, v14;
	v5 =	vadd.s32 $0x7800, v5;
	v6 =	vadd.s32 $0x7800, v6;
	v10 =	vld.idx.msk [tilespmem:v10+s3+$0x0], $0xffff  }
0x3a: {  	v21 =	vor.u32 v2, v21;
	v5 =	vand.u32 $0x1FF80, v5;
	v6 =	vand.u32 $0x1FF80, v6;
	v9 =	vld.idx.msk [tilespmem:v9+s3+$0x0], $0xffff  }
0x3b: {  	v25 =	vor.u32 v2, v5;
	v19 =	vand.u32 $0x7F, v7;
	[tilespmem:v18+s17+$0x0] =	vst.idx.add.f32.msk $0xffff, v11;
	v11 =	vadd.s32 $0x5000, v13  }
0x3c: {  	v2 =	vadd.s32 $0x7800, v7;
	v16 =	vor.u32 v19, v16;
	v18 =	vld [tilespmem:s31+$0x0];
	v11 =	vand.u32 $0x1FF80, v11  }
0x3d: {  	v2 =	vand.u32 $0x1FF80, v2;
	v17 =	vor.u32 v3, v17;
	v15 =	vld.idx.msk [tilespmem:v15+s3+$0x0], $0xffff;
	v11 =	vor.u32 v12, v11  }
0x3e: {  	v22 =	vand.u32 $0x1FF80, v22;
	v23 =	vor.u32 v19, v23;
	v1 =	vand.u32 $0x1FF80, v1  }
0x3f: {  	v3 =	vor.u32 v3, v6;
	v26 =	vor.u32 v20, v1;
	v1 =	vadd.s32 $0x7800, v13;
	[tilespmem:v14+s17+$0x0] =	vst.idx.add.f32.msk $0xffff, v10  }
0x40: {  	v22 =	vor.u32 v20, v22;
	v20 =	vand.u32 $0x7F, v24;
	v5 =	vand.u32 $0x1FF80, v1;
	v7 =	vld.idx.msk [tilespmem:v21+s3+$0x0], $0xffff  }
0x41: {  	v1 =	vor.u32 v19, v2;
	v19 =	vshrl.u32 v24, $0x10;
	[tilespmem:v16+s17+$0x0] =	vst.idx.add.f32.msk $0xffff, v9;
	v10 =	vand.u32 $0xFFFF, v8  }
0x42: {  	v5 =	vor.u32 v12, v5;
	v28 =	vand.u32 $0x7F, v19;
	[tilespmem:v11+s17+$0x0] =	vst.idx.add.f32.msk $0xffff, v15;
	v15 =	vand.u32 $0xFFFF, v18  }
0x43: {  	v29 =	vadd.s32 $0x5000, v19;
	v14 =	vand.u32 $0x7F, v8;
	v9 =	vadd.s32 $0x2800, v10;
	v2 =	vld.idx.msk [tilespmem:v4+s3+$0x0], $0xffff  }
0x44: {  	v27 =	vadd.s32 $0x5000, v10;
	v9 =	vand.u32 $0x1FF80, v9;
	v11 =	vshrl.u32 v8, $0x10;
	v8 =	vld.idx.msk [tilespmem:v17+s3+$0x0], $0xffff  }
0x45: {  	v61 =	vand.u32 $0x1FF80, v29;
	v27 =	vand.u32 $0x1FF80, v27;
	v16 =	vor.u32 v14, v9;
	[tilespmem:v22+s17+$0x0] =	vst.idx.add.f32.msk $0xffff, v7  }
0x46: {  	v17 =	vld.idx.msk [tilespmem:v10+s3+$0x0], $0xffff;
	v10 =	vadd.s32 $0x7800, v10;
	v4 =	vand.u32 $0xFFFF, v24;
	v12 =	vadd.s32 $0x2800, v11  }
0x47: {  	v6 =	vadd.s32 $0x2800, v4;
	v9 =	vand.u32 $0x1FF80, v12;
	v12 =	vadd.s32 $0x2800, v15;
	v13 =	vld.idx.msk [tilespmem:v15+s3+$0x0], $0xffff  }
0x48: {  	v12 =	vand.u32 $0x1FF80, v12;
	[tilespmem:v5+s17+$0x0] =	vst.idx.add.f32.msk $0xffff, v2;
	v2 =	vshrl.u32 v18, $0x10;
	v5 =	vand.u32 $0x7F, v18  }
0x49: {  	v60 =	vadd.s32 $0x5000, v15;
	v6 =	vand.u32 $0x1FF80, v6;
	[tilespmem:v23+s17+$0x0] =	vst.idx.add.f32.msk $0xffff, v8;
	v12 =	vor.u32 v5, v12  }
0x4a: {  	v63 =	vadd.s32 $0x7800, v11;
	v21 =	vor.u32 v20, v6;
	v6 =	vadd.s32 $0x2800, v19;
	v23 =	vld.idx.msk [tilespmem:v25+s3+$0x0], $0xffff  }
0x4b: {  	v22 =	vadd.s32 $0x5000, v4;
	v6 =	vand.u32 $0x1FF80, v6;
	v8 =	vor.u32 v14, v27;
	[tilespmem:v11+s17+$0x0] =	vst.idx.add.f32.msk $0xffff, v17  }
0x4c: {  	v18 =	vand.u32 $0x7F, v11;
	v57 =	vld.idx.msk [tilespmem:v4+s3+$0x0], $0xffff;
	v7 =	vor.u32 v28, v6;
	v6 =	vand.u32 $0x1FF80, v22  }
0x4d: {  	v22 =	vadd.s32 $0x5000, v11;
	v4 =	vadd.s32 $0x7800, v4;
	v58 =	vadd.s32 $0x2800, v2;
	[tilespmem:v2+s17+$0x0] =	vst.idx.add.f32.msk $0xffff, v13  }
0x4e: {  	v6 =	vor.u32 v20, v6;
	v13 =	vand.u32 $0x7F, v2;
	v59 =	vld.idx.msk [tilespmem:v12+s3+$0x0], $0xffff;
	v12 =	vand.u32 $0x1FF80, v58  }
0x4f: {  	v17 =	vld.idx.msk [tilespmem:v16+s3+$0x0], $0xffff;
	v4 =	vand.u32 $0x1FF80, v4;
	v30 =	vor.u32 v13, v12;
	v12 =	vand.u32 $0x1FF80, v60  }
0x50: {  	v4 =	vor.u32 v20, v4;
	v20 =	vadd.s32 $0x5000, v2;
	[tilespmem:v26+s17+$0x0] =	vst.idx.add.f32.msk $0xffff, v23;
	v62 =	vor.u32 v5, v12  }
0x51: {  	v9 =	vor.u32 v18, v9;
	v22 =	vand.u32 $0x1FF80, v22;
	v20 =	vand.u32 $0x1FF80, v20;
	[tilespmem:v19+s17+$0x0] =	vst.idx.add.f32.msk $0xffff, v57  }
0x52: {  	v19 =	vadd.s32 $0x7800, v19;
	v16 =	vld.idx.msk [tilespmem:v21+s3+$0x0], $0xffff;
	v12 =	vor.u32 v18, v22;
	v22 =	vand.u32 $0x1FF80, v10  }
0x53: {  	v21 =	vand.u32 $0x1FF80, v63;
	v19 =	vand.u32 $0x1FF80, v19;
	v11 =	vor.u32 v14, v22;
	v14 =	vld.idx.msk [tilespmem:v3+s3+$0x0], $0xffff  }
0x54: {  	v10 =	vor.u32 v28, v61;
	v3 =	vor.u32 v18, v21;
	v21 =	vadd.s32 $0x7800, v15;
	[tilespmem:v30+s17+$0x0] =	vst.idx.add.f32.msk $0xffff, v59  }
0x55: {  	s22 =	simm.s32 $0x14080;
	s21 =	simm.s32 $0x3;
	v15 =	vor.u32 v28, v19;
	v19 =	vor.u32 v13, v20;
	v20 =	vand.u32 $0x1FF80, v21;
	v18 =	vld.idx.msk [tilespmem:v62+s3+$0x0], $0xffff  }
.LBB2_5:
0x56: {  	v21 =	vld [tilespmem:s22+$0x0];
	v5 =	vor.u32 v5, v20  }
0x57: {  	s21 =	sadd.s32 $0x3, s21;
	v20 =	vld [tilespmem:s22+$0xFFFFFFF0]  }
0x58: {  	p0 =	slt.u32 s21, $0xFC;
	v22 =	vld [tilespmem:s22+$0xFFFFFFE0]  }
0x59: {  	[tilespmem:v9+s17+$0x0] =	vst.idx.add.f32.msk $0xffff, v17  }
0x5a: {  	v2 =	vadd.s32 $0x7800, v2;
	[tilespmem:v19+s17+$0x0] =	vst.idx.add.f32.msk $0xffff, v18  }
0x5b: {  	v2 =	vand.u32 $0x1FF80, v2;
	v19 =	vand.u32 $0xFFFF, v21;
	v5 =	vld.idx.msk [tilespmem:v5+s3+$0x0], $0xffff  }
0x5c: {  	v2 =	vor.u32 v13, v2;
	v17 =	vand.u32 $0xFFFF, v20;
	v18 =	vshrl.u32 v20, $0x10;
	[tilespmem:v7+s17+$0x0] =	vst.idx.add.f32.msk $0xffff, v16  }
0x5d: {  	v16 =	vand.u32 $0xFFFF, v22;
	v23 =	vshrl.u32 v22, $0x10;
	v7 =	vadd.s32 $0x2800, v17;
	v8 =	vld.idx.msk [tilespmem:v8+s3+$0x0], $0xffff  }
0x5e: {  	v22 =	vand.u32 $0x7F, v22;
	v9 =	vadd.s32 $0x2800, v16;
	v7 =	vand.u32 $0x1FF80, v7;
	v6 =	vld.idx.msk [tilespmem:v6+s3+$0x0], $0xffff  }
0x5f: {  	v20 =	vand.u32 $0x7F, v20;
	v13 =	vadd.s32 $0x2800, v23;
	v9 =	vand.u32 $0x1FF80, v9;
	[tilespmem:v1+s17+$0x0] =	vst.idx.add.f32.msk $0xffff, v14;
	v1 =	vmovc v15  }
0x60: {  	v15 =	vor.u32 v20, v7;
	v7 =	vadd.s32 $0x2800, v18;
	v14 =	vor.u32 v22, v9;
	v24 =	vld.idx.msk [tilespmem:v19+s3+$0x0], $0xffff  }
0x61: {  	v9 =	vand.u32 $0x1FF80, v13;
	v7 =	vand.u32 $0x1FF80, v7;
	v13 =	vadd.s32 $0x2800, v19;
	[tilespmem:v2+s17+$0x0] =	vst.idx.add.f32.msk $0xffff, v5  }
0x62: {  	v2 =	vshrl.u32 v21, $0x10;
	v13 =	vand.u32 $0x1FF80, v13;
	v5 =	vand.u32 $0x7F, v21;
	v25 =	vld.idx.msk [tilespmem:v16+s3+$0x0], $0xffff  }
0x63: {  	v26 =	vadd.s32 $0x5000, v16;
	v21 =	vand.u32 $0x7F, v23;
	v28 =	vor.u32 v5, v13;
	v27 =	vld.idx.msk [tilespmem:v17+s3+$0x0], $0xffff  }
0x64: {  	v29 =	vand.u32 $0x7F, v18;
	v9 =	vor.u32 v21, v9;
	v13 =	vadd.s32 $0x5000, v17;
	[tilespmem:v12+s17+$0x0] =	vst.idx.add.f32.msk $0xffff, v8  }
0x65: {  	v7 =	vor.u32 v29, v7;
	v8 =	vand.u32 $0x1FF80, v26;
	v12 =	vand.u32 $0x1FF80, v13;
	[tilespmem:v10+s17+$0x0] =	vst.idx.add.f32.msk $0xffff, v6  }
0x66: {  	v8 =	vor.u32 v22, v8;
	v10 =	vadd.s32 $0x5000, v23;
	v6 =	vor.u32 v20, v12;
	v26 =	vld.idx.msk [tilespmem:v11+s3+$0x0], $0xffff  }
0x67: {  	v12 =	vadd.s32 $0x2800, v2;
	v10 =	vand.u32 $0x1FF80, v10;
	v11 =	vadd.s32 $0x5000, v18;
	[tilespmem:v2+s17+$0x0] =	vst.idx.add.f32.msk $0xffff, v24  }
0x68: {  	v13 =	vand.u32 $0x7F, v2;
	v12 =	vand.u32 $0x1FF80, v12;
	v24 =	vld.idx.msk [tilespmem:v28+s3+$0x0], $0xffff;
	v28 =	vadd.s32 $0x5000, v19  }
0x69: {  	v11 =	vand.u32 $0x1FF80, v11;
	[tilespmem:v23+s17+$0x0] =	vst.idx.add.f32.msk $0xffff, v25;
	v25 =	vor.u32 v13, v12;
	v12 =	vand.u32 $0x1FF80, v28  }
0x6a: {  	v16 =	vadd.s32 $0x7800, v16;
	[tilespmem:v18+s17+$0x0] =	vst.idx.add.f32.msk $0xffff, v27;
	v27 =	vadd.s32 $0x7800, v17;
	v28 =	vor.u32 v5, v12  }
0x6b: {  	v12 =	vor.u32 v21, v10;
	v10 =	vor.u32 v29, v11;
	v17 =	vld.idx.msk [tilespmem:v14+s3+$0x0], $0xffff;
	v14 =	vand.u32 $0x1FF80, v16  }
.Ltmp1:
0x6c: {  	v11 =	vor.u32 v22, v14;
	v14 =	vadd.s32 $0x7800, v23;
	v16 =	vld.idx.msk [tilespmem:v15+s3+$0x0], $0xffff;
	v15 =	vand.u32 $0x1FF80, v27;
	(pc) =	sbr.rel @p0 .LBB2_5-.Ltmp1, $4  }
0x6d: {  	v18 =	vadd.s32 $0x7800, v18;
	v22 =	vand.u32 $0x1FF80, v14;
	v14 =	vld.idx.msk [tilespmem:v4+s3+$0x0], $0xffff;
	v4 =	vor.u32 v20, v15  }
0x6e: {  	v15 =	vand.u32 $0x1FF80, v18;
	v20 =	vadd.s32 $0x5000, v2;
	v21 =	vor.u32 v21, v22;
	[tilespmem:v25+s17+$0x0] =	vst.idx.add.f32.msk $0xffff, v24  }
0x6f: {  	v15 =	vor.u32 v29, v15;
	v20 =	vand.u32 $0x1FF80, v20;
	v22 =	vadd.s32 $0x7800, v19;
	v18 =	vld.idx.msk [tilespmem:v28+s3+$0x0], $0xffff  }
0x70: {  	s22 =	sadd.s32 $0x30, s22;
	v19 =	vor.u32 v13, v20;
	v20 =	vand.u32 $0x1FF80, v22;
	[tilespmem:v3+s17+$0x0] =	vst.idx.add.f32.msk $0xffff, v26;
	v3 =	vmov v21  }
0x71: {  	_ =	sdelay $0x3  }
0x72: {  	[tilespmem:v9+s17+$0x0] =	vst.idx.add.f32.msk $0xffff, v17  }
0x73: {  	v5 =	vor.u32 v5, v20;
	[tilespmem:v7+s17+$0x0] =	vst.idx.add.f32.msk $0xffff, v16  }
0x74: {  	v7 =	vld.idx.msk [tilespmem:v8+s3+$0x0], $0xffff  }
0x75: {  	v6 =	vld.idx.msk [tilespmem:v6+s3+$0x0], $0xffff;
	_ =	sdelay $0x1  }
0x76: {  	[tilespmem:v19+s17+$0x0] =	vst.idx.add.f32.msk $0xffff, v18  }
0x77: {  	v2 =	vadd.s32 $0x7800, v2;
	v5 =	vld.idx.msk [tilespmem:v5+s3+$0x0], $0xffff  }
0x78: {  	v2 =	vand.u32 $0x1FF80, v2;
	[tilespmem:v12+s17+$0x0] =	vst.idx.add.f32.msk $0xffff, v7  }
0x79: {  	v2 =	vor.u32 v13, v2;
	[tilespmem:v10+s17+$0x0] =	vst.idx.add.f32.msk $0xffff, v6  }
0x7a: {  	v6 =	vld.idx.msk [tilespmem:v11+s3+$0x0], $0xffff  }
0x7b: {  	v4 =	vld.idx.msk [tilespmem:v4+s3+$0x0], $0xffff;
	_ =	sdelay $0x1  }
0x7c: {  	[tilespmem:v1+s17+$0x0] =	vst.idx.add.f32.msk $0xffff, v14  }
0x7d: {  	[tilespmem:v2+s17+$0x0] =	vst.idx.add.f32.msk $0xffff, v5  }
0x7e: {  	[tilespmem:v3+s17+$0x0] =	vst.idx.add.f32.msk $0xffff, v6  }
0x7f: {  	[tilespmem:v15+s17+$0x0] =	vst.idx.add.f32.msk $0xffff, v4  }
0x80: {  	v1 =	vld [tilespmem:$0x14FF0];
	_ =	sdelay $0x4  }
0x81: {  	v2 =	vand.u32 $0xFFFF, v1;
	_ =	sdelay $0x3  }
0x82: {  	v3 =	vadd.s32 $0x2800, v2  }
0x83: {  	v4 =	vshrl.u32 v1, $0x10;
	v1 =	vand.u32 $0x7F, v1;
	v3 =	vand.u32 $0x1FF80, v3;
	v5 =	vld.idx.msk [tilespmem:v2+s3+$0x0], $0xffff  }
0x84: {  	v3 =	vor.u32 v1, v3;
	_ =	sdelay $0x2  }
0x85: {  	v6 =	vadd.s32 $0x2800, v4  }
0x86: {  	v7 =	vand.u32 $0x7F, v4;
	[tilespmem:v4+s17+$0x0] =	vst.idx.add.f32.msk $0xffff, v5;
	v5 =	vand.u32 $0x1FF80, v6;
	v6 =	vadd.s32 $0x5000, v2  }
0x87: {  	v3 =	vld.idx.msk [tilespmem:v3+s3+$0x0], $0xffff;
	v5 =	vor.u32 v7, v5;
	v6 =	vand.u32 $0x1FF80, v6  }
0x88: {  	v6 =	vor.u32 v1, v6;
	_ =	sdelay $0x2  }
0x89: {  	v8 =	vadd.s32 $0x5000, v4  }
0x8a: {  	v2 =	vadd.s32 $0x7800, v2;
	[tilespmem:v5+s17+$0x0] =	vst.idx.add.f32.msk $0xffff, v3;
	v3 =	vand.u32 $0x1FF80, v8  }
0x8b: {  	v2 =	vand.u32 $0x1FF80, v2;
	v5 =	vld.idx.msk [tilespmem:v6+s3+$0x0], $0xffff;
	v3 =	vor.u32 v7, v3  }
0x8c: {  	v1 =	vor.u32 v1, v2;
	_ =	sdelay $0x2  }
0x8d: {  	v2 =	vadd.s32 $0x7800, v4  }
0x8e: {  	v2 =	vand.u32 $0x1FF80, v2;
	[tilespmem:v3+s17+$0x0] =	vst.idx.add.f32.msk $0xffff, v5  }
0x8f: {  	v2 =	vor.u32 v7, v2;
	v1 =	vld.idx.msk [tilespmem:v1+s3+$0x0], $0xffff;
	_ =	sdelay $0x4  }
0x90: {  	[tilespmem:v2+s17+$0x0] =	vst.idx.add.f32.msk $0xffff, v1  }
0x91: {  	_ =	swait.ge [sflag:s18], $0x1000  }
0x92: {  	[sflag:s18] =	ssyncset.done $0x0  }
0x93: {  	s21 =	simm.s32 $0x15020;
	[sflag:s18] =	ssyncadd.s32 $0xFFFFF000  }
0x94: {  	v1 =	vld [tilespmem:s21+$0x0]  }
0x95: {  	v2 =	vld [tilespmem:s21+$0xFFFFFFE0]  }
0x96: {  	v3 =	vld [tilespmem:s21+$0xFFFFFFF0];
	_ =	sdelay $0x2  }
0x97: {  	v4 =	vand.u32 $0xFFFF, v1  }
0x98: {  	v5 =	vand.u32 $0xFFFF, v2  }
0x99: {  	v6 =	vand.u32 $0xFFFF, v3;
	v7 =	vshrl.u32 v3, $0x10;
	v8 =	vshrl.u32 v2, $0x10  }
0x9a: {  	v13 =	vshrl.u32 v1, $0x10;
	v1 =	vand.u32 $0x7F, v1;
	v2 =	vand.u32 $0x7F, v2  }
0x9b: {  	v3 =	vand.u32 $0x7F, v3;
	v9 =	vadd.s32 $0x2800, v6;
	v10 =	vadd.s32 $0x2800, v5  }
0x9c: {  	v11 =	vadd.s32 $0x2800, v4;
	v14 =	vadd.s32 $0x2800, v8;
	v16 =	vadd.s32 $0x2800, v7;
	v12 =	vld.idx.msk [tilespmem:v4+s3+$0x0], $0xffff  }
0x9d: {  	v18 =	vadd.s32 $0x2800, v13;
	v19 =	vadd.s32 $0x5000, v4;
	v11 =	vand.u32 $0x1FF80, v11;
	v15 =	vld.idx.msk [tilespmem:v5+s3+$0x0], $0xffff  }
0x9e: {  	v20 =	vand.u32 $0x7F, v8;
	v21 =	vadd.s32 $0x5000, v5;
	v11 =	vor.u32 v1, v11  }
0x9f: {  	s31 =	simm.s32 $0x15050;
	v22 =	vadd.s32 $0x5000, v6;
	v23 =	vadd.s32 $0x5000, v7;
	v9 =	vand.u32 $0x1FF80, v9;
	v17 =	vld.idx.msk [tilespmem:v6+s3+$0x0], $0xffff  }
0xa0: {  	v24 =	vld [tilespmem:s31+$0xFFFFFFF0];
	v10 =	vand.u32 $0x1FF80, v10;
	v14 =	vand.u32 $0x1FF80, v14;
	v16 =	vand.u32 $0x1FF80, v16  }
0xa1: {  	v18 =	vand.u32 $0x1FF80, v18;
	v19 =	vand.u32 $0x1FF80, v19;
	v10 =	vor.u32 v2, v10;
	[tilespmem:v13+s17+$0x0] =	vst.idx.add.f32.msk $0xffff, v12  }
0xa2: {  	v9 =	vor.u32 v3, v9;
	v4 =	vadd.s32 $0x7800, v4;
	v12 =	vand.u32 $0x7F, v13;
	[tilespmem:v8+s17+$0x0] =	vst.idx.add.f32.msk $0xffff, v15  }
0xa3: {  	v21 =	vand.u32 $0x1FF80, v21;
	v4 =	vand.u32 $0x1FF80, v4;
	v11 =	vld.idx.msk [tilespmem:v11+s3+$0x0], $0xffff;
	v18 =	vor.u32 v12, v18  }
0xa4: {  	v23 =	vand.u32 $0x1FF80, v23;
	v4 =	vor.u32 v1, v4;
	v15 =	vor.u32 v1, v19;
	[tilespmem:v7+s17+$0x0] =	vst.idx.add.f32.msk $0xffff, v17  }
0xa5: {  	v17 =	vand.u32 $0x1FF80, v22;
	v22 =	vadd.s32 $0x5000, v8;
	v1 =	vadd.s32 $0x7800, v8;
	v8 =	vld [tilespmem:s31+$0xFFFFFFE0]  }
0xa6: {  	v14 =	vor.u32 v20, v14;
	v5 =	vadd.s32 $0x7800, v5;
	v6 =	vadd.s32 $0x7800, v6;
	v10 =	vld.idx.msk [tilespmem:v10+s3+$0x0], $0xffff  }
0xa7: {  	v21 =	vor.u32 v2, v21;
	v5 =	vand.u32 $0x1FF80, v5;
	v6 =	vand.u32 $0x1FF80, v6;
	v9 =	vld.idx.msk [tilespmem:v9+s3+$0x0], $0xffff  }
0xa8: {  	v25 =	vor.u32 v2, v5;
	v19 =	vand.u32 $0x7F, v7;
	[tilespmem:v18+s17+$0x0] =	vst.idx.add.f32.msk $0xffff, v11;
	v11 =	vadd.s32 $0x5000, v13  }
0xa9: {  	v2 =	vadd.s32 $0x7800, v7;
	v16 =	vor.u32 v19, v16;
	v18 =	vld [tilespmem:s31+$0x0];
	v11 =	vand.u32 $0x1FF80, v11  }
0xaa: {  	v2 =	vand.u32 $0x1FF80, v2;
	v17 =	vor.u32 v3, v17;
	v15 =	vld.idx.msk [tilespmem:v15+s3+$0x0], $0xffff;
	v11 =	vor.u32 v12, v11  }
0xab: {  	v22 =	vand.u32 $0x1FF80, v22;
	v23 =	vor.u32 v19, v23;
	v1 =	vand.u32 $0x1FF80, v1  }
0xac: {  	v3 =	vor.u32 v3, v6;
	v26 =	vor.u32 v20, v1;
	v1 =	vadd.s32 $0x7800, v13;
	[tilespmem:v14+s17+$0x0] =	vst.idx.add.f32.msk $0xffff, v10  }
0xad: {  	v22 =	vor.u32 v20, v22;
	v20 =	vand.u32 $0x7F, v24;
	v5 =	vand.u32 $0x1FF80, v1;
	v7 =	vld.idx.msk [tilespmem:v21+s3+$0x0], $0xffff  }
0xae: {  	v1 =	vor.u32 v19, v2;
	v19 =	vshrl.u32 v24, $0x10;
	[tilespmem:v16+s17+$0x0] =	vst.idx.add.f32.msk $0xffff, v9;
	v10 =	vand.u32 $0xFFFF, v8  }
0xaf: {  	v5 =	vor.u32 v12, v5;
	v28 =	vand.u32 $0x7F, v19;
	[tilespmem:v11+s17+$0x0] =	vst.idx.add.f32.msk $0xffff, v15;
	v15 =	vand.u32 $0xFFFF, v18  }
0xb0: {  	v29 =	vadd.s32 $0x5000, v19;
	v14 =	vand.u32 $0x7F, v8;
	v9 =	vadd.s32 $0x2800, v10;
	v2 =	vld.idx.msk [tilespmem:v4+s3+$0x0], $0xffff  }
0xb1: {  	v27 =	vadd.s32 $0x5000, v10;
	v9 =	vand.u32 $0x1FF80, v9;
	v11 =	vshrl.u32 v8, $0x10;
	v8 =	vld.idx.msk [tilespmem:v17+s3+$0x0], $0xffff  }
0xb2: {  	v61 =	vand.u32 $0x1FF80, v29;
	v27 =	vand.u32 $0x1FF80, v27;
	v16 =	vor.u32 v14, v9;
	[tilespmem:v22+s17+$0x0] =	vst.idx.add.f32.msk $0xffff, v7  }
0xb3: {  	v17 =	vld.idx.msk [tilespmem:v10+s3+$0x0], $0xffff;
	v10 =	vadd.s32 $0x7800, v10;
	v4 =	vand.u32 $0xFFFF, v24;
	v12 =	vadd.s32 $0x2800, v11  }
0xb4: {  	v6 =	vadd.s32 $0x2800, v4;
	v9 =	vand.u32 $0x1FF80, v12;
	v12 =	vadd.s32 $0x2800, v15;
	v13 =	vld.idx.msk [tilespmem:v15+s3+$0x0], $0xffff  }
0xb5: {  	v12 =	vand.u32 $0x1FF80, v12;
	[tilespmem:v5+s17+$0x0] =	vst.idx.add.f32.msk $0xffff, v2;
	v2 =	vshrl.u32 v18, $0x10;
	v5 =	vand.u32 $0x7F, v18  }
0xb6: {  	v60 =	vadd.s32 $0x5000, v15;
	v6 =	vand.u32 $0x1FF80, v6;
	[tilespmem:v23+s17+$0x0] =	vst.idx.add.f32.msk $0xffff, v8;
	v12 =	vor.u32 v5, v12  }
0xb7: {  	v63 =	vadd.s32 $0x7800, v11;
	v21 =	vor.u32 v20, v6;
	v6 =	vadd.s32 $0x2800, v19;
	v23 =	vld.idx.msk [tilespmem:v25+s3+$0x0], $0xffff  }
0xb8: {  	v22 =	vadd.s32 $0x5000, v4;
	v6 =	vand.u32 $0x1FF80, v6;
	v8 =	vor.u32 v14, v27;
	[tilespmem:v11+s17+$0x0] =	vst.idx.add.f32.msk $0xffff, v17  }
0xb9: {  	v18 =	vand.u32 $0x7F, v11;
	v57 =	vld.idx.msk [tilespmem:v4+s3+$0x0], $0xffff;
	v7 =	vor.u32 v28, v6;
	v6 =	vand.u32 $0x1FF80, v22  }
0xba: {  	v22 =	vadd.s32 $0x5000, v11;
	v4 =	vadd.s32 $0x7800, v4;
	v58 =	vadd.s32 $0x2800, v2;
	[tilespmem:v2+s17+$0x0] =	vst.idx.add.f32.msk $0xffff, v13  }
0xbb: {  	v6 =	vor.u32 v20, v6;
	v13 =	vand.u32 $0x7F, v2;
	v59 =	vld.idx.msk [tilespmem:v12+s3+$0x0], $0xffff;
	v12 =	vand.u32 $0x1FF80, v58  }
0xbc: {  	v17 =	vld.idx.msk [tilespmem:v16+s3+$0x0], $0xffff;
	v4 =	vand.u32 $0x1FF80, v4;
	v30 =	vor.u32 v13, v12;
	v12 =	vand.u32 $0x1FF80, v60  }
0xbd: {  	v4 =	vor.u32 v20, v4;
	v20 =	vadd.s32 $0x5000, v2;
	[tilespmem:v26+s17+$0x0] =	vst.idx.add.f32.msk $0xffff, v23;
	v62 =	vor.u32 v5, v12  }
0xbe: {  	v9 =	vor.u32 v18, v9;
	v22 =	vand.u32 $0x1FF80, v22;
	v20 =	vand.u32 $0x1FF80, v20;
	[tilespmem:v19+s17+$0x0] =	vst.idx.add.f32.msk $0xffff, v57  }
0xbf: {  	v19 =	vadd.s32 $0x7800, v19;
	v16 =	vld.idx.msk [tilespmem:v21+s3+$0x0], $0xffff;
	v12 =	vor.u32 v18, v22;
	v22 =	vand.u32 $0x1FF80, v10  }
0xc0: {  	v21 =	vand.u32 $0x1FF80, v63;
	v19 =	vand.u32 $0x1FF80, v19;
	v11 =	vor.u32 v14, v22;
	v14 =	vld.idx.msk [tilespmem:v3+s3+$0x0], $0xffff  }
0xc1: {  	v10 =	vor.u32 v28, v61;
	v3 =	vor.u32 v18, v21;
	v21 =	vadd.s32 $0x7800, v15;
	[tilespmem:v30+s17+$0x0] =	vst.idx.add.f32.msk $0xffff, v59  }
0xc2: {  	s22 =	simm.s32 $0x15080;
	s21 =	simm.s32 $0x3;
	v15 =	vor.u32 v28, v19;
	v19 =	vor.u32 v13, v20;
	v20 =	vand.u32 $0x1FF80, v21;
	v18 =	vld.idx.msk [tilespmem:v62+s3+$0x0], $0xffff  }
.LBB2_7:
0xc3: {  	v21 =	vld [tilespmem:s22+$0x0];
	v5 =	vor.u32 v5, v20  }
0xc4: {  	s21 =	sadd.s32 $0x3, s21;
	v20 =	vld [tilespmem:s22+$0xFFFFFFF0]  }
0xc5: {  	p0 =	slt.u32 s21, $0xFC;
	v22 =	vld [tilespmem:s22+$0xFFFFFFE0]  }
0xc6: {  	[tilespmem:v9+s17+$0x0] =	vst.idx.add.f32.msk $0xffff, v17  }
0xc7: {  	v2 =	vadd.s32 $0x7800, v2;
	[tilespmem:v19+s17+$0x0] =	vst.idx.add.f32.msk $0xffff, v18  }
0xc8: {  	v2 =	vand.u32 $0x1FF80, v2;
	v19 =	vand.u32 $0xFFFF, v21;
	v5 =	vld.idx.msk [tilespmem:v5+s3+$0x0], $0xffff  }
0xc9: {  	v2 =	vor.u32 v13, v2;
	v17 =	vand.u32 $0xFFFF, v20;
	v18 =	vshrl.u32 v20, $0x10;
	[tilespmem:v7+s17+$0x0] =	vst.idx.add.f32.msk $0xffff, v16  }
0xca: {  	v16 =	vand.u32 $0xFFFF, v22;
	v23 =	vshrl.u32 v22, $0x10;
	v7 =	vadd.s32 $0x2800, v17;
	v8 =	vld.idx.msk [tilespmem:v8+s3+$0x0], $0xffff  }
0xcb: {  	v22 =	vand.u32 $0x7F, v22;
	v9 =	vadd.s32 $0x2800, v16;
	v7 =	vand.u32 $0x1FF80, v7;
	v6 =	vld.idx.msk [tilespmem:v6+s3+$0x0], $0xffff  }
0xcc: {  	v20 =	vand.u32 $0x7F, v20;
	v13 =	vadd.s32 $0x2800, v23;
	v9 =	vand.u32 $0x1FF80, v9;
	[tilespmem:v1+s17+$0x0] =	vst.idx.add.f32.msk $0xffff, v14;
	v1 =	vmovc v15  }
0xcd: {  	v15 =	vor.u32 v20, v7;
	v7 =	vadd.s32 $0x2800, v18;
	v14 =	vor.u32 v22, v9;
	v24 =	vld.idx.msk [tilespmem:v19+s3+$0x0], $0xffff  }
0xce: {  	v9 =	vand.u32 $0x1FF80, v13;
	v7 =	vand.u32 $0x1FF80, v7;
	v13 =	vadd.s32 $0x2800, v19;
	[tilespmem:v2+s17+$0x0] =	vst.idx.add.f32.msk $0xffff, v5  }
0xcf: {  	v2 =	vshrl.u32 v21, $0x10;
	v13 =	vand.u32 $0x1FF80, v13;
	v5 =	vand.u32 $0x7F, v21;
	v25 =	vld.idx.msk [tilespmem:v16+s3+$0x0], $0xffff  }
0xd0: {  	v26 =	vadd.s32 $0x5000, v16;
	v21 =	vand.u32 $0x7F, v23;
	v28 =	vor.u32 v5, v13;
	v27 =	vld.idx.msk [tilespmem:v17+s3+$0x0], $0xffff  }
0xd1: {  	v29 =	vand.u32 $0x7F, v18;
	v9 =	vor.u32 v21, v9;
	v13 =	vadd.s32 $0x5000, v17;
	[tilespmem:v12+s17+$0x0] =	vst.idx.add.f32.msk $0xffff, v8  }
0xd2: {  	v7 =	vor.u32 v29, v7;
	v8 =	vand.u32 $0x1FF80, v26;
	v12 =	vand.u32 $0x1FF80, v13;
	[tilespmem:v10+s17+$0x0] =	vst.idx.add.f32.msk $0xffff, v6  }
0xd3: {  	v8 =	vor.u32 v22, v8;
	v10 =	vadd.s32 $0x5000, v23;
	v6 =	vor.u32 v20, v12;
	v26 =	vld.idx.msk [tilespmem:v11+s3+$0x0], $0xffff  }
0xd4: {  	v12 =	vadd.s32 $0x2800, v2;
	v10 =	vand.u32 $0x1FF80, v10;
	v11 =	vadd.s32 $0x5000, v18;
	[tilespmem:v2+s17+$0x0] =	vst.idx.add.f32.msk $0xffff, v24  }
0xd5: {  	v13 =	vand.u32 $0x7F, v2;
	v12 =	vand.u32 $0x1FF80, v12;
	v24 =	vld.idx.msk [tilespmem:v28+s3+$0x0], $0xffff;
	v28 =	vadd.s32 $0x5000, v19  }
0xd6: {  	v11 =	vand.u32 $0x1FF80, v11;
	[tilespmem:v23+s17+$0x0] =	vst.idx.add.f32.msk $0xffff, v25;
	v25 =	vor.u32 v13, v12;
	v12 =	vand.u32 $0x1FF80, v28  }
0xd7: {  	v16 =	vadd.s32 $0x7800, v16;
	[tilespmem:v18+s17+$0x0] =	vst.idx.add.f32.msk $0xffff, v27;
	v27 =	vadd.s32 $0x7800, v17;
	v28 =	vor.u32 v5, v12  }
0xd8: {  	v12 =	vor.u32 v21, v10;
	v10 =	vor.u32 v29, v11;
	v17 =	vld.idx.msk [tilespmem:v14+s3+$0x0], $0xffff;
	v14 =	vand.u32 $0x1FF80, v16  }
.Ltmp2:
0xd9: {  	v11 =	vor.u32 v22, v14;
	v14 =	vadd.s32 $0x7800, v23;
	v16 =	vld.idx.msk [tilespmem:v15+s3+$0x0], $0xffff;
	v15 =	vand.u32 $0x1FF80, v27;
	(pc) =	sbr.rel @p0 .LBB2_7-.Ltmp2, $4  }
0xda: {  	v18 =	vadd.s32 $0x7800, v18;
	v22 =	vand.u32 $0x1FF80, v14;
	v14 =	vld.idx.msk [tilespmem:v4+s3+$0x0], $0xffff;
	v4 =	vor.u32 v20, v15  }
0xdb: {  	v15 =	vand.u32 $0x1FF80, v18;
	v20 =	vadd.s32 $0x5000, v2;
	v21 =	vor.u32 v21, v22;
	[tilespmem:v25+s17+$0x0] =	vst.idx.add.f32.msk $0xffff, v24  }
0xdc: {  	v15 =	vor.u32 v29, v15;
	v20 =	vand.u32 $0x1FF80, v20;
	v22 =	vadd.s32 $0x7800, v19;
	v18 =	vld.idx.msk [tilespmem:v28+s3+$0x0], $0xffff  }
0xdd: {  	s22 =	sadd.s32 $0x30, s22;
	v19 =	vor.u32 v13, v20;
	v20 =	vand.u32 $0x1FF80, v22;
	[tilespmem:v3+s17+$0x0] =	vst.idx.add.f32.msk $0xffff, v26;
	v3 =	vmov v21  }
0xde: {  	_ =	sdelay $0x3  }
0xdf: {  	[tilespmem:v9+s17+$0x0] =	vst.idx.add.f32.msk $0xffff, v17  }
0xe0: {  	v5 =	vor.u32 v5, v20;
	[tilespmem:v7+s17+$0x0] =	vst.idx.add.f32.msk $0xffff, v16  }
0xe1: {  	v56 =	vld.idx.msk [tilespmem:v8+s3+$0x0], $0xffff  }
0xe2: {  	v6 =	vld.idx.msk [tilespmem:v6+s3+$0x0], $0xffff;
	_ =	sdelay $0x1  }
0xe3: {  	[tilespmem:v19+s17+$0x0] =	vst.idx.add.f32.msk $0xffff, v18  }
0xe4: {  	v2 =	vadd.s32 $0x7800, v2;
	v5 =	vld.idx.msk [tilespmem:v5+s3+$0x0], $0xffff  }
0xe5: {  	v2 =	vand.u32 $0x1FF80, v2;
	[tilespmem:v12+s17+$0x0] =	vst.idx.add.f32.msk $0xffff, v56  }
0xe6: {  	v2 =	vor.u32 v13, v2;
	[tilespmem:v10+s17+$0x0] =	vst.idx.add.f32.msk $0xffff, v6  }
0xe7: {  	v57 =	vld.idx.msk [tilespmem:v11+s3+$0x0], $0xffff  }
0xe8: {  	v4 =	vld.idx.msk [tilespmem:v4+s3+$0x0], $0xffff;
	_ =	sdelay $0x1  }
0xe9: {  	[tilespmem:v1+s17+$0x0] =	vst.idx.add.f32.msk $0xffff, v14  }
0xea: {  	[tilespmem:v2+s17+$0x0] =	vst.idx.add.f32.msk $0xffff, v5  }
0xeb: {  	[tilespmem:v3+s17+$0x0] =	vst.idx.add.f32.msk $0xffff, v57  }
0xec: {  	[tilespmem:v15+s17+$0x0] =	vst.idx.add.f32.msk $0xffff, v4  }
0xed: {  	v1 =	vld [tilespmem:$0x15FF0];
	_ =	sdelay $0x4  }
0xee: {  	v2 =	vand.u32 $0xFFFF, v1;
	_ =	sdelay $0x3  }
0xef: {  	v3 =	vadd.s32 $0x2800, v2  }
0xf0: {  	v58 =	vshrl.u32 v1, $0x10;
	v1 =	vand.u32 $0x7F, v1;
	v3 =	vand.u32 $0x1FF80, v3;
	v5 =	vld.idx.msk [tilespmem:v2+s3+$0x0], $0xffff  }
0xf1: {  	v3 =	vor.u32 v1, v3;
	_ =	sdelay $0x2  }
0xf2: {  	v59 =	vadd.s32 $0x2800, v58  }
0xf3: {  	v60 =	vand.u32 $0x7F, v58;
	v62 =	vadd.s32 $0x5000, v2;
	v61 =	vand.u32 $0x1FF80, v59;
	[tilespmem:v58+s17+$0x0] =	vst.idx.add.f32.msk $0xffff, v5  }
0xf4: {  	v6 =	vand.u32 $0x1FF80, v62;
	v5 =	vor.u32 v60, v61;
	v3 =	vld.idx.msk [tilespmem:v3+s3+$0x0], $0xffff  }
0xf5: {  	v6 =	vor.u32 v1, v6;
	_ =	sdelay $0x2  }
0xf6: {  	v63 =	vadd.s32 $0x5000, v58  }
0xf7: {  	v2 =	vadd.s32 $0x7800, v2;
	[tilespmem:v5+s17+$0x0] =	vst.idx.add.f32.msk $0xffff, v3;
	v3 =	vand.u32 $0x1FF80, v63  }
0xf8: {  	v2 =	vand.u32 $0x1FF80, v2;
	v5 =	vld.idx.msk [tilespmem:v6+s3+$0x0], $0xffff;
	v3 =	vor.u32 v60, v3  }
0xf9: {  	v1 =	vor.u32 v1, v2;
	_ =	sdelay $0x2  }
0xfa: {  	v2 =	vadd.s32 $0x7800, v58  }
0xfb: {  	s20 =	sadd.s32 $0x1, s20;
	v2 =	vand.u32 $0x1FF80, v2;
	[tilespmem:v3+s17+$0x0] =	vst.idx.add.f32.msk $0xffff, v5  }
0xfc: {  	p0 =	sne.s32 s20, $0x27;
	v2 =	vor.u32 v60, v2;
	v1 =	vld.idx.msk [tilespmem:v1+s3+$0x0], $0xffff  }
.Ltmp3:
0xfd: {  	_ = 	snop;
	(pc) =	sbr.rel @p0 .LBB2_4-.Ltmp3, $2  }
0xfe: {  	_ =	sdelay $0x2  }
0xff: {  	[tilespmem:v2+s17+$0x0] =	vst.idx.add.f32.msk $0xffff, v1  }
0x100: {  	[tilespmem:s15], [sflag:$0x3] =	stream.linear.gather [spmem:s7], $0x1000, $0x38;
	[tilespmem:$0x1AF00] =	vst v63  }
0x101: {  	_ =	swait.ge [sflag:s13], $0x1000  }
0x102: {  	[sflag:s13] =	ssyncset.done $0x0  }
0x103: {  	s20 =	simm.s32 $0x14020;
	[sflag:s13] =	ssyncadd.s32 $0xFFFFF000  }
0x104: {  	v1 =	vld [tilespmem:s20+$0x0]  }
0x105: {  	v2 =	vld [tilespmem:s20+$0xFFFFFFE0]  }
0x106: {  	v3 =	vld [tilespmem:s20+$0xFFFFFFF0];
	_ =	sdelay $0x2  }
0x107: {  	v4 =	vand.u32 $0xFFFF, v1  }
0x108: {  	v5 =	vand.u32 $0xFFFF, v2  }
0x109: {  	v6 =	vand.u32 $0xFFFF, v3;
	v7 =	vshrl.u32 v3, $0x10;
	v8 =	vshrl.u32 v2, $0x10  }
0x10a: {  	v13 =	vshrl.u32 v1, $0x10;
	v1 =	vand.u32 $0x7F, v1;
	v2 =	vand.u32 $0x7F, v2  }
0x10b: {  	v3 =	vand.u32 $0x7F, v3;
	v9 =	vadd.s32 $0x2800, v6;
	v10 =	vadd.s32 $0x2800, v5  }
0x10c: {  	v11 =	vadd.s32 $0x2800, v4;
	v14 =	vadd.s32 $0x2800, v8;
	v16 =	vadd.s32 $0x2800, v7;
	v12 =	vld.idx.msk [tilespmem:v4+s3+$0x0], $0xffff  }
0x10d: {  	v18 =	vadd.s32 $0x2800, v13;
	v19 =	vadd.s32 $0x5000, v4;
	v11 =	vand.u32 $0x1FF80, v11;
	v15 =	vld.idx.msk [tilespmem:v5+s3+$0x0], $0xffff  }
0x10e: {  	v20 =	vand.u32 $0x7F, v8;
	v21 =	vadd.s32 $0x5000, v5;
	v11 =	vor.u32 v1, v11  }
0x10f: {  	s31 =	simm.s32 $0x14050;
	v22 =	vadd.s32 $0x5000, v6;
	v23 =	vadd.s32 $0x5000, v7;
	v9 =	vand.u32 $0x1FF80, v9;
	v17 =	vld.idx.msk [tilespmem:v6+s3+$0x0], $0xffff  }
0x110: {  	v24 =	vld [tilespmem:s31+$0xFFFFFFF0];
	v10 =	vand.u32 $0x1FF80, v10;
	v14 =	vand.u32 $0x1FF80, v14;
	v16 =	vand.u32 $0x1FF80, v16  }
0x111: {  	v18 =	vand.u32 $0x1FF80, v18;
	v19 =	vand.u32 $0x1FF80, v19;
	v10 =	vor.u32 v2, v10;
	[tilespmem:v13+s17+$0x0] =	vst.idx.add.f32.msk $0xffff, v12  }
0x112: {  	v9 =	vor.u32 v3, v9;
	v4 =	vadd.s32 $0x7800, v4;
	v12 =	vand.u32 $0x7F, v13;
	[tilespmem:v8+s17+$0x0] =	vst.idx.add.f32.msk $0xffff, v15  }
0x113: {  	v21 =	vand.u32 $0x1FF80, v21;
	v4 =	vand.u32 $0x1FF80, v4;
	v11 =	vld.idx.msk [tilespmem:v11+s3+$0x0], $0xffff;
	v18 =	vor.u32 v12, v18  }
0x114: {  	v23 =	vand.u32 $0x1FF80, v23;
	v4 =	vor.u32 v1, v4;
	v15 =	vor.u32 v1, v19;
	[tilespmem:v7+s17+$0x0] =	vst.idx.add.f32.msk $0xffff, v17  }
0x115: {  	v17 =	vand.u32 $0x1FF80, v22;
	v22 =	vadd.s32 $0x5000, v8;
	v1 =	vadd.s32 $0x7800, v8;
	v8 =	vld [tilespmem:s31+$0xFFFFFFE0]  }
0x116: {  	v14 =	vor.u32 v20, v14;
	v5 =	vadd.s32 $0x7800, v5;
	v6 =	vadd.s32 $0x7800, v6;
	v10 =	vld.idx.msk [tilespmem:v10+s3+$0x0], $0xffff  }
0x117: {  	v21 =	vor.u32 v2, v21;
	v5 =	vand.u32 $0x1FF80, v5;
	v6 =	vand.u32 $0x1FF80, v6;
	v9 =	vld.idx.msk [tilespmem:v9+s3+$0x0], $0xffff  }
0x118: {  	v25 =	vor.u32 v2, v5;
	v19 =	vand.u32 $0x7F, v7;
	[tilespmem:v18+s17+$0x0] =	vst.idx.add.f32.msk $0xffff, v11;
	v11 =	vadd.s32 $0x5000, v13  }
0x119: {  	v2 =	vadd.s32 $0x7800, v7;
	v16 =	vor.u32 v19, v16;
	v18 =	vld [tilespmem:s31+$0x0];
	v11 =	vand.u32 $0x1FF80, v11  }
0x11a: {  	v2 =	vand.u32 $0x1FF80, v2;
	v17 =	vor.u32 v3, v17;
	v15 =	vld.idx.msk [tilespmem:v15+s3+$0x0], $0xffff;
	v11 =	vor.u32 v12, v11  }
0x11b: {  	v22 =	vand.u32 $0x1FF80, v22;
	v23 =	vor.u32 v19, v23;
	v1 =	vand.u32 $0x1FF80, v1  }
0x11c: {  	v3 =	vor.u32 v3, v6;
	v26 =	vor.u32 v20, v1;
	v1 =	vadd.s32 $0x7800, v13;
	[tilespmem:v14+s17+$0x0] =	vst.idx.add.f32.msk $0xffff, v10  }
0x11d: {  	v22 =	vor.u32 v20, v22;
	v20 =	vand.u32 $0x7F, v24;
	v5 =	vand.u32 $0x1FF80, v1;
	v7 =	vld.idx.msk [tilespmem:v21+s3+$0x0], $0xffff  }
0x11e: {  	v1 =	vor.u32 v19, v2;
	v19 =	vshrl.u32 v24, $0x10;
	[tilespmem:v16+s17+$0x0] =	vst.idx.add.f32.msk $0xffff, v9;
	v10 =	vand.u32 $0xFFFF, v8  }
0x11f: {  	v5 =	vor.u32 v12, v5;
	v28 =	vand.u32 $0x7F, v19;
	[tilespmem:v11+s17+$0x0] =	vst.idx.add.f32.msk $0xffff, v15;
	v15 =	vand.u32 $0xFFFF, v18  }
0x120: {  	v29 =	vadd.s32 $0x5000, v19;
	v14 =	vand.u32 $0x7F, v8;
	v9 =	vadd.s32 $0x2800, v10;
	v2 =	vld.idx.msk [tilespmem:v4+s3+$0x0], $0xffff  }
0x121: {  	v27 =	vadd.s32 $0x5000, v10;
	v9 =	vand.u32 $0x1FF80, v9;
	v11 =	vshrl.u32 v8, $0x10;
	v8 =	vld.idx.msk [tilespmem:v17+s3+$0x0], $0xffff  }
0x122: {  	v61 =	vand.u32 $0x1FF80, v29;
	v27 =	vand.u32 $0x1FF80, v27;
	v16 =	vor.u32 v14, v9;
	[tilespmem:v22+s17+$0x0] =	vst.idx.add.f32.msk $0xffff, v7  }
0x123: {  	v17 =	vld.idx.msk [tilespmem:v10+s3+$0x0], $0xffff;
	v10 =	vadd.s32 $0x7800, v10;
	v4 =	vand.u32 $0xFFFF, v24;
	v12 =	vadd.s32 $0x2800, v11  }
0x124: {  	v6 =	vadd.s32 $0x2800, v4;
	v9 =	vand.u32 $0x1FF80, v12;
	v12 =	vadd.s32 $0x2800, v15;
	v13 =	vld.idx.msk [tilespmem:v15+s3+$0x0], $0xffff  }
0x125: {  	v12 =	vand.u32 $0x1FF80, v12;
	[tilespmem:v5+s17+$0x0] =	vst.idx.add.f32.msk $0xffff, v2;
	v2 =	vshrl.u32 v18, $0x10;
	v5 =	vand.u32 $0x7F, v18  }
0x126: {  	v60 =	vadd.s32 $0x5000, v15;
	v6 =	vand.u32 $0x1FF80, v6;
	[tilespmem:v23+s17+$0x0] =	vst.idx.add.f32.msk $0xffff, v8;
	v12 =	vor.u32 v5, v12  }
0x127: {  	v63 =	vadd.s32 $0x7800, v11;
	v21 =	vor.u32 v20, v6;
	v6 =	vadd.s32 $0x2800, v19;
	v23 =	vld.idx.msk [tilespmem:v25+s3+$0x0], $0xffff  }
0x128: {  	v22 =	vadd.s32 $0x5000, v4;
	v6 =	vand.u32 $0x1FF80, v6;
	v8 =	vor.u32 v14, v27;
	[tilespmem:v11+s17+$0x0] =	vst.idx.add.f32.msk $0xffff, v17  }
0x129: {  	v18 =	vand.u32 $0x7F, v11;
	v57 =	vld.idx.msk [tilespmem:v4+s3+$0x0], $0xffff;
	v7 =	vor.u32 v28, v6;
	v6 =	vand.u32 $0x1FF80, v22  }
0x12a: {  	v22 =	vadd.s32 $0x5000, v11;
	v4 =	vadd.s32 $0x7800, v4;
	v58 =	vadd.s32 $0x2800, v2;
	[tilespmem:v2+s17+$0x0] =	vst.idx.add.f32.msk $0xffff, v13  }
0x12b: {  	v6 =	vor.u32 v20, v6;
	v13 =	vand.u32 $0x7F, v2;
	v59 =	vld.idx.msk [tilespmem:v12+s3+$0x0], $0xffff;
	v12 =	vand.u32 $0x1FF80, v58  }
0x12c: {  	v17 =	vld.idx.msk [tilespmem:v16+s3+$0x0], $0xffff;
	v4 =	vand.u32 $0x1FF80, v4;
	v30 =	vor.u32 v13, v12;
	v12 =	vand.u32 $0x1FF80, v60  }
0x12d: {  	v4 =	vor.u32 v20, v4;
	v20 =	vadd.s32 $0x5000, v2;
	[tilespmem:v26+s17+$0x0] =	vst.idx.add.f32.msk $0xffff, v23;
	v62 =	vor.u32 v5, v12  }
0x12e: {  	v9 =	vor.u32 v18, v9;
	v22 =	vand.u32 $0x1FF80, v22;
	v20 =	vand.u32 $0x1FF80, v20;
	[tilespmem:v19+s17+$0x0] =	vst.idx.add.f32.msk $0xffff, v57  }
0x12f: {  	v19 =	vadd.s32 $0x7800, v19;
	v16 =	vld.idx.msk [tilespmem:v21+s3+$0x0], $0xffff;
	v12 =	vor.u32 v18, v22;
	v22 =	vand.u32 $0x1FF80, v10  }
0x130: {  	v21 =	vand.u32 $0x1FF80, v63;
	v19 =	vand.u32 $0x1FF80, v19;
	v11 =	vor.u32 v14, v22;
	v14 =	vld.idx.msk [tilespmem:v3+s3+$0x0], $0xffff  }
0x131: {  	v10 =	vor.u32 v28, v61;
	v3 =	vor.u32 v18, v21;
	v21 =	vadd.s32 $0x7800, v15;
	[tilespmem:v30+s17+$0x0] =	vst.idx.add.f32.msk $0xffff, v59  }
0x132: {  	s21 =	simm.s32 $0x14080;
	s20 =	simm.s32 $0x3;
	v15 =	vor.u32 v28, v19;
	v19 =	vor.u32 v13, v20;
	v20 =	vand.u32 $0x1FF80, v21;
	v18 =	vld.idx.msk [tilespmem:v62+s3+$0x0], $0xffff  }
.LBB2_10:
0x133: {  	v21 =	vld [tilespmem:s21+$0x0];
	v5 =	vor.u32 v5, v20  }
0x134: {  	s20 =	sadd.s32 $0x3, s20;
	v20 =	vld [tilespmem:s21+$0xFFFFFFF0]  }
0x135: {  	p0 =	slt.u32 s20, $0xFC;
	v22 =	vld [tilespmem:s21+$0xFFFFFFE0]  }
0x136: {  	[tilespmem:v9+s17+$0x0] =	vst.idx.add.f32.msk $0xffff, v17  }
0x137: {  	v2 =	vadd.s32 $0x7800, v2;
	[tilespmem:v19+s17+$0x0] =	vst.idx.add.f32.msk $0xffff, v18  }
0x138: {  	v2 =	vand.u32 $0x1FF80, v2;
	v19 =	vand.u32 $0xFFFF, v21;
	v5 =	vld.idx.msk [tilespmem:v5+s3+$0x0], $0xffff  }
0x139: {  	v2 =	vor.u32 v13, v2;
	v17 =	vand.u32 $0xFFFF, v20;
	v18 =	vshrl.u32 v20, $0x10;
	[tilespmem:v7+s17+$0x0] =	vst.idx.add.f32.msk $0xffff, v16  }
0x13a: {  	v16 =	vand.u32 $0xFFFF, v22;
	v23 =	vshrl.u32 v22, $0x10;
	v7 =	vadd.s32 $0x2800, v17;
	v8 =	vld.idx.msk [tilespmem:v8+s3+$0x0], $0xffff  }
0x13b: {  	v22 =	vand.u32 $0x7F, v22;
	v9 =	vadd.s32 $0x2800, v16;
	v7 =	vand.u32 $0x1FF80, v7;
	v6 =	vld.idx.msk [tilespmem:v6+s3+$0x0], $0xffff  }
0x13c: {  	v20 =	vand.u32 $0x7F, v20;
	v13 =	vadd.s32 $0x2800, v23;
	v9 =	vand.u32 $0x1FF80, v9;
	[tilespmem:v1+s17+$0x0] =	vst.idx.add.f32.msk $0xffff, v14;
	v1 =	vmovc v15  }
0x13d: {  	v15 =	vor.u32 v20, v7;
	v7 =	vadd.s32 $0x2800, v18;
	v14 =	vor.u32 v22, v9;
	v24 =	vld.idx.msk [tilespmem:v19+s3+$0x0], $0xffff  }
0x13e: {  	v9 =	vand.u32 $0x1FF80, v13;
	v7 =	vand.u32 $0x1FF80, v7;
	v13 =	vadd.s32 $0x2800, v19;
	[tilespmem:v2+s17+$0x0] =	vst.idx.add.f32.msk $0xffff, v5  }
0x13f: {  	v2 =	vshrl.u32 v21, $0x10;
	v13 =	vand.u32 $0x1FF80, v13;
	v5 =	vand.u32 $0x7F, v21;
	v25 =	vld.idx.msk [tilespmem:v16+s3+$0x0], $0xffff  }
0x140: {  	v26 =	vadd.s32 $0x5000, v16;
	v21 =	vand.u32 $0x7F, v23;
	v28 =	vor.u32 v5, v13;
	v27 =	vld.idx.msk [tilespmem:v17+s3+$0x0], $0xffff  }
0x141: {  	v29 =	vand.u32 $0x7F, v18;
	v9 =	vor.u32 v21, v9;
	v13 =	vadd.s32 $0x5000, v17;
	[tilespmem:v12+s17+$0x0] =	vst.idx.add.f32.msk $0xffff, v8  }
0x142: {  	v7 =	vor.u32 v29, v7;
	v8 =	vand.u32 $0x1FF80, v26;
	v12 =	vand.u32 $0x1FF80, v13;
	[tilespmem:v10+s17+$0x0] =	vst.idx.add.f32.msk $0xffff, v6  }
0x143: {  	v8 =	vor.u32 v22, v8;
	v10 =	vadd.s32 $0x5000, v23;
	v6 =	vor.u32 v20, v12;
	v26 =	vld.idx.msk [tilespmem:v11+s3+$0x0], $0xffff  }
0x144: {  	v12 =	vadd.s32 $0x2800, v2;
	v10 =	vand.u32 $0x1FF80, v10;
	v11 =	vadd.s32 $0x5000, v18;
	[tilespmem:v2+s17+$0x0] =	vst.idx.add.f32.msk $0xffff, v24  }
0x145: {  	v13 =	vand.u32 $0x7F, v2;
	v12 =	vand.u32 $0x1FF80, v12;
	v24 =	vld.idx.msk [tilespmem:v28+s3+$0x0], $0xffff;
	v28 =	vadd.s32 $0x5000, v19  }
0x146: {  	v11 =	vand.u32 $0x1FF80, v11;
	[tilespmem:v23+s17+$0x0] =	vst.idx.add.f32.msk $0xffff, v25;
	v25 =	vor.u32 v13, v12;
	v12 =	vand.u32 $0x1FF80, v28  }
0x147: {  	v16 =	vadd.s32 $0x7800, v16;
	[tilespmem:v18+s17+$0x0] =	vst.idx.add.f32.msk $0xffff, v27;
	v27 =	vadd.s32 $0x7800, v17;
	v28 =	vor.u32 v5, v12  }
0x148: {  	v12 =	vor.u32 v21, v10;
	v10 =	vor.u32 v29, v11;
	v17 =	vld.idx.msk [tilespmem:v14+s3+$0x0], $0xffff;
	v14 =	vand.u32 $0x1FF80, v16  }
.Ltmp4:
0x149: {  	v11 =	vor.u32 v22, v14;
	v14 =	vadd.s32 $0x7800, v23;
	v16 =	vld.idx.msk [tilespmem:v15+s3+$0x0], $0xffff;
	v15 =	vand.u32 $0x1FF80, v27;
	(pc) =	sbr.rel @p0 .LBB2_10-.Ltmp4, $4  }
0x14a: {  	v18 =	vadd.s32 $0x7800, v18;
	v22 =	vand.u32 $0x1FF80, v14;
	v14 =	vld.idx.msk [tilespmem:v4+s3+$0x0], $0xffff;
	v4 =	vor.u32 v20, v15  }
0x14b: {  	v15 =	vand.u32 $0x1FF80, v18;
	v20 =	vadd.s32 $0x5000, v2;
	v21 =	vor.u32 v21, v22;
	[tilespmem:v25+s17+$0x0] =	vst.idx.add.f32.msk $0xffff, v24  }
0x14c: {  	v15 =	vor.u32 v29, v15;
	v20 =	vand.u32 $0x1FF80, v20;
	v22 =	vadd.s32 $0x7800, v19;
	v18 =	vld.idx.msk [tilespmem:v28+s3+$0x0], $0xffff  }
0x14d: {  	s21 =	sadd.s32 $0x30, s21;
	v19 =	vor.u32 v13, v20;
	v20 =	vand.u32 $0x1FF80, v22;
	[tilespmem:v3+s17+$0x0] =	vst.idx.add.f32.msk $0xffff, v26;
	v3 =	vmov v21  }
0x14e: {  	_ =	sdelay $0x3  }
0x14f: {  	[tilespmem:v9+s17+$0x0] =	vst.idx.add.f32.msk $0xffff, v17  }
0x150: {  	v5 =	vor.u32 v5, v20;
	[tilespmem:v7+s17+$0x0] =	vst.idx.add.f32.msk $0xffff, v16  }
0x151: {  	v56 =	vld.idx.msk [tilespmem:v8+s3+$0x0], $0xffff  }
0x152: {  	v6 =	vld.idx.msk [tilespmem:v6+s3+$0x0], $0xffff;
	_ =	sdelay $0x1  }
0x153: {  	[tilespmem:v19+s17+$0x0] =	vst.idx.add.f32.msk $0xffff, v18  }
0x154: {  	v2 =	vadd.s32 $0x7800, v2;
	v5 =	vld.idx.msk [tilespmem:v5+s3+$0x0], $0xffff  }
0x155: {  	v2 =	vand.u32 $0x1FF80, v2;
	[tilespmem:v12+s17+$0x0] =	vst.idx.add.f32.msk $0xffff, v56  }
0x156: {  	v2 =	vor.u32 v13, v2;
	[tilespmem:v10+s17+$0x0] =	vst.idx.add.f32.msk $0xffff, v6  }
0x157: {  	v57 =	vld.idx.msk [tilespmem:v11+s3+$0x0], $0xffff  }
0x158: {  	v4 =	vld.idx.msk [tilespmem:v4+s3+$0x0], $0xffff;
	_ =	sdelay $0x1  }
0x159: {  	[tilespmem:v1+s17+$0x0] =	vst.idx.add.f32.msk $0xffff, v14  }
0x15a: {  	[tilespmem:v2+s17+$0x0] =	vst.idx.add.f32.msk $0xffff, v5  }
0x15b: {  	[tilespmem:v3+s17+$0x0] =	vst.idx.add.f32.msk $0xffff, v57  }
0x15c: {  	[tilespmem:v15+s17+$0x0] =	vst.idx.add.f32.msk $0xffff, v4  }
0x15d: {  	v1 =	vld [tilespmem:$0x14FF0];
	_ =	sdelay $0x4  }
0x15e: {  	v2 =	vand.u32 $0xFFFF, v1;
	_ =	sdelay $0x3  }
0x15f: {  	v3 =	vadd.s32 $0x2800, v2  }
0x160: {  	v58 =	vshrl.u32 v1, $0x10;
	v1 =	vand.u32 $0x7F, v1;
	v3 =	vand.u32 $0x1FF80, v3;
	v5 =	vld.idx.msk [tilespmem:v2+s3+$0x0], $0xffff  }
0x161: {  	v3 =	vor.u32 v1, v3;
	_ =	sdelay $0x2  }
0x162: {  	v59 =	vadd.s32 $0x2800, v58  }
0x163: {  	v60 =	vand.u32 $0x7F, v58;
	v62 =	vadd.s32 $0x5000, v2;
	v61 =	vand.u32 $0x1FF80, v59;
	[tilespmem:v58+s17+$0x0] =	vst.idx.add.f32.msk $0xffff, v5  }
0x164: {  	v6 =	vand.u32 $0x1FF80, v62;
	v5 =	vor.u32 v60, v61;
	v3 =	vld.idx.msk [tilespmem:v3+s3+$0x0], $0xffff  }
0x165: {  	v6 =	vor.u32 v1, v6;
	_ =	sdelay $0x2  }
0x166: {  	v63 =	vadd.s32 $0x5000, v58  }
0x167: {  	v2 =	vadd.s32 $0x7800, v2;
	[tilespmem:v5+s17+$0x0] =	vst.idx.add.f32.msk $0xffff, v3;
	v3 =	vand.u32 $0x1FF80, v63  }
0x168: {  	v2 =	vand.u32 $0x1FF80, v2;
	v5 =	vld.idx.msk [tilespmem:v6+s3+$0x0], $0xffff;
	v3 =	vor.u32 v60, v3  }
0x169: {  	v1 =	vor.u32 v1, v2;
	_ =	sdelay $0x2  }
0x16a: {  	v2 =	vadd.s32 $0x7800, v58  }
0x16b: {  	v2 =	vand.u32 $0x1FF80, v2;
	[tilespmem:v3+s17+$0x0] =	vst.idx.add.f32.msk $0xffff, v5  }
0x16c: {  	v2 =	vor.u32 v60, v2;
	v1 =	vld.idx.msk [tilespmem:v1+s3+$0x0], $0xffff;
	_ =	sdelay $0x2  }
0x16d: {  	s19 =	sadd.s32 $0x1, s19  }
0x16e: {  	p0 =	sne.s32 s19, s9  }
.Ltmp5:
0x16f: {  	[tilespmem:v2+s17+$0x0] =	vst.idx.add.f32.msk $0xffff, v1;
	(pc) =	sbr.rel @p0 .LBB2_1-.Ltmp5, $4  }
0x170: {  	[hbm4b:s8+s10] =	stream.strided.scatter [tilespmem:s17], [sflag:$0x3], $0xA000, s11, s10, $0x38;
	[tilespmem:$0x1AF00] =	vst v63  }
0x171: {  	_ =	swait.ge [sflag:s13], $0xA000  }
0x172: {  	[sflag:s13] =	ssyncset.done $0x0  }
0x173: {  	[sflag:s13] =	ssyncadd.s32 $0xFFFF6000  }
0x174: {  	_ =	sfence.sel $0x180000  }
0x175: {  	[bflag:$0x0] =	sbarrier.arrive $0xFFFF  }
0x176: {  	p0 =	sne.s32 s0, $0x0;
	_ =	strace $0x9000004A  }
0x177: {  	s0 =	sadd.s32 @!p0 $0x100000, s1;
	[bflag:$0x2] =	sbarrier.arrive $0xFFFF  }
0x178: {  	[sflag:s0] =	ssyncadd.tile.s32 @!p0 $0x1;
	_ =	shalt  }
.Lfunc_end2:
_tile_overlayer_lowered:
.L_overlay_start_2:
0x179: {  	(tag) =	ssettag $0x2  }
0x17a: {  	s0 =	rddreg [dreg:$0x0];
	s2 =	stileid.u32  }
0x17b: {  	s1 =	rddreg [dreg:$0x1];
	p0 =	sne.s32 s2, $0x0  }
0x17c: {  	s3 =	rddreg [dreg:$0x2];
	[bflag:$0x3] =	sbarrier.arrive $0xFFFF;
	s2 =	simm.s32 @!p0 $0x1C03  }
0x17d: {  	[timem:s3], [sflag:s2] =	dma.local @!p0 [hbm:s0], s1  }
0x17e: {  	s0 =	simm.s32 @!p0 $0x3  }
0x17f: {  	_ =	swait.ge @!p0 [sflag:s0], s1  }
0x180: {  	s1 =	ssub.s32 @!p0 $0x0, s1;
	[sflag:s0] =	ssyncset.done @!p0 $0x0  }
0x181: {  	[sflag:s0] =	ssyncadd.s32 @!p0 s1  }
0x182: {  	[bflag:$0x3] =	sbarrier.arrive $0xFFFF  }
0x183: {  	_ =	shalt  }

</sc_bundles>
